<compile_context>
chip_gen: v7x
topology: tpu7x:2x2x1
jax: 0.10.2.dev20260603
libtpu: 0.0.44.dev20260713+nightly
codegen_flags: <defaults>
</compile_context>

<pallas_src>
import functools
import math

import jax
import jax.numpy as jnp
import numpy as np
from jax import lax
from jax.experimental import pallas as pl
from jax.experimental.pallas import tpu as pltpu
from jax.experimental.pallas import tpu_sc as plsc

_VOCAB = 1000000
_D = 64
_BATCH = 16384
_SEQ = 50

_NW = 32
_ROWS = _BATCH * _SEQ
_PER_W = _ROWS // _NW
_XROW = _PER_W // 128
_CSEQ = 4
_C = _CSEQ * _SEQ
_NCHUNK = _PER_W // _C
_SUBS = (104, 96)
_SCALE = 8.0


def _pos_encoding():
    positions = np.arange(_SEQ)[:, np.newaxis]
    div_term = np.exp(np.arange(0, _D, 2) * -(np.log(10000.0) / _D))
    angle_rads = positions * div_term
    pe = np.zeros((_SEQ, _D), dtype=np.float32)
    pe[:, 0::2] = np.sin(angle_rads)
    pe[:, 1::2] = np.cos(angle_rads)
    return pe


_PE = _pos_encoding()


def _make_sc_kernel():
    mesh = plsc.VectorSubcoreMesh(core_axis_name="c", subcore_axis_name="s")

    @functools.partial(
        pl.kernel,
        out_type=jax.ShapeDtypeStruct((_BATCH, _SEQ, _D), jnp.float32),
        mesh=mesh,
        compiler_params=pltpu.CompilerParams(use_tc_tiling_on_sc=False),
        scratch_types=[
            pltpu.VMEM((_XROW // 2, 128), jnp.int32),
            pltpu.VMEM((_PER_W,), jnp.int32),
            pltpu.VMEM((2, _C, 128), jnp.float32),
            pltpu.VMEM((2, _CSEQ, _SEQ, _D), jnp.float32),
            pltpu.VMEM((_SEQ, _D), jnp.float32),
            pltpu.SemaphoreType.DMA,
            pltpu.SemaphoreType.DMA,
            pltpu.SemaphoreType.DMA,
            pltpu.SemaphoreType.DMA,
        ],
    )
    def sc_kernel(x_hbm, pe_hbm, table_hbm, out_hbm, xs_v, idx_v, rows_v, ob_v,
                  pe_v, g0, g1, w0, w1):
        wid = lax.axis_index("s") * 2 + lax.axis_index("c")

        pltpu.sync_copy(pe_hbm, pe_v)

        half = _XROW // 2
        for h in range(2):
            pltpu.sync_copy(x_hbm.at[pl.ds(wid * _XROW + h * half, half)], xs_v)

            def repack_body(r, carry):
                base = (h * half + r) * 128
                for j in range(128 // 16):
                    idx_v[pl.ds(base + 16 * j, 16)] = xs_v[r, pl.ds(16 * j, 16)]
                return carry

            lax.fori_loop(0, half, repack_body, 0)

        sems = (g0, g1)
        wsems = (w0, w1)

        def out_slice(c):
            b0 = (wid * _NCHUNK + c) * _CSEQ
            return out_hbm.at[pl.ds(b0, _CSEQ)]

        def sub_copies(c, b):
            copies = []
            off = 0
            for sub in _SUBS:
                copies.append((
                    table_hbm.at[idx_v.at[pl.ds(c * _C + off, sub)]],
                    rows_v.at[b, pl.ds(off, sub)],
                ))
                off += sub
            return copies

        def fire(c, b):
            for src, dst in sub_copies(c, b):
                pltpu.async_copy(src, dst, sems[b])

        def finish(c, b):
            for src, dst in sub_copies(c, b):
                pltpu.make_async_copy(src, dst, sems[b]).wait()

            @pl.when(c >= 2)
            def _():
                pltpu.make_async_copy(ob_v.at[b], out_slice(c - 2), wsems[b]).wait()

            def seq_body(q, carry):
                def row_body(r, carry2):
                    i = q * _SEQ + r
                    for j in range(_D // 16):
                        sl = pl.ds(16 * j, 16)
                        ob_v[b, q, r, sl] = rows_v[b, i, sl] * _SCALE + pe_v[r, sl]
                    return carry2

                lax.fori_loop(0, _SEQ, row_body, 0)
                return carry

            lax.fori_loop(0, _CSEQ, seq_body, 0)

            pltpu.async_copy(ob_v.at[b], out_slice(c), wsems[b])

        fire(0, 0)

        def loop_body(c2, carry):
            c0 = 2 * c2

            fire(c0 + 1, 1)
            finish(c0, 0)

            @pl.when(c0 + 2 < _NCHUNK)
            def _():
                fire(c0 + 2, 0)

            finish(c0 + 1, 1)
            return carry

        lax.fori_loop(0, _NCHUNK // 2, loop_body, 0)

        pltpu.make_async_copy(ob_v.at[0], out_slice(_NCHUNK - 2), wsems[0]).wait()
        pltpu.make_async_copy(ob_v.at[1], out_slice(_NCHUNK - 1), wsems[1]).wait()

    return sc_kernel


_sc_kernel = _make_sc_kernel()


@jax.jit
def kernel(x, table):
    x128 = x.reshape(_ROWS // 128, 128)
    pe = jnp.asarray(_PE)
    table128 = jnp.pad(table, ((0, 0), (0, 128 - _D)))
    return _sc_kernel(x128, pe, table128)

# --- scband reference (transcript-rebuilt; emitter-appended) ---
"""Pipeline reference for scband-positional-embedding-34024730918914 (READ-ONLY COPY).

The authoritative reference and input builder live on the scoring server;
editing this copy changes nothing except your own understanding.
"""

import jax, jax.numpy as jnp
import numpy as np

VOCAB = 1000000
D_MODEL = 64
BATCH = 16384
SEQ = 50


def _positional_encoding(length, depth):
    positions = np.arange(length)[:, np.newaxis]
    div_term = np.exp(np.arange(0, depth, 2) * -(np.log(10000.0) / depth))
    angle_rads = positions * div_term
    pe = np.zeros((length, depth), dtype=np.float32)
    pe[:, 0::2] = np.sin(angle_rads)
    pe[:, 1::2] = np.cos(angle_rads)
    return jnp.asarray(pe)


def setup_inputs(seed: int = 0) -> dict:
    key = jax.random.key(seed)
    k1, k2 = jax.random.split(key)
    x = jax.random.randint(k1, (BATCH, SEQ), 0, VOCAB, dtype=jnp.int32)
    table = jax.random.normal(k2, (VOCAB, D_MODEL), dtype=jnp.float32) * 0.02
    return {"x": x, "table": table}


def reference(x, table):
    # pos_encoding is precomputed with length 100 in the original module
    pe = _positional_encoding(100, D_MODEL)[jnp.newaxis, ...]
    seq_len = x.shape[1]
    emb = jnp.take(table, x, axis=0)
    emb = emb * jnp.sqrt(jnp.asarray(D_MODEL, dtype=jnp.float32))
    emb = emb + pe[:, :seq_len, :]
    return emb

if __name__ == "__main__":
    import jax
    _d = setup_inputs()
    print(jax.jit(kernel)(*tuple(_d.values())))

</pallas_src>

<mosaic_0001>
#map = affine_map<(d0, d1) -> (0, 0)>
#map1 = affine_map<(d0, d1) -> (0, 0, 0)>
module attributes {stable_mosaic.version = 14 : i64} {
  func.func @sc_kernel(%arg0: i32, %arg1: i32, %arg2: memref<6400x128xi32, #tpu.memory_space<hbm>>, %arg3: memref<50x64xf32, #tpu.memory_space<hbm>>, %arg4: memref<1000000x128xf32, #tpu.memory_space<hbm>>, %arg5: memref<16384x50x64xf32, #tpu.memory_space<hbm>>, %arg6: memref<100x128xi32, #tpu.memory_space<vmem>>, %arg7: memref<25600xi32, #tpu.memory_space<vmem>>, %arg8: memref<2x200x128xf32, #tpu.memory_space<vmem>>, %arg9: memref<2x4x50x64xf32, #tpu.memory_space<vmem>>, %arg10: memref<50x64xf32, #tpu.memory_space<vmem>>, %arg11: memref<!tpu.dma_semaphore, #tpu.memory_space<semaphore_mem>>, %arg12: memref<!tpu.dma_semaphore, #tpu.memory_space<semaphore_mem>>, %arg13: memref<!tpu.dma_semaphore, #tpu.memory_space<semaphore_mem>>, %arg14: memref<!tpu.dma_semaphore, #tpu.memory_space<semaphore_mem>>) attributes {dimension_semantics = [#tpu.dimension_semantics<core_parallel>, #tpu.dimension_semantics<subcore_parallel>], iteration_bounds = array<i64: 2, 16>, scalar_prefetch = 0 : i64, scratch_operands = 9 : i64, tpu.core_type = #tpu.core_type<sc_vector_subcore>, window_params = [{transform_indices = #map}, {transform_indices = #map}, {transform_indices = #map}, {transform_indices = #map1}]} {
    %mul3A = arith.constant 2 : i32
    %mul3A_0 = arith.muli %arg1, %mul3A : i32
    %add3A = arith.addi %mul3A_0, %arg0 : i32
    "tpu.region"() ({
      %run_scoped3A = tpu.sem_alloc : memref<!tpu.dma_semaphore, #tpu.memory_space<semaphore_mem>>
      tpu.enqueue_dma source(%arg3 : memref<50x64xf32, #tpu.memory_space<hbm>>) target(%arg10 : memref<50x64xf32, #tpu.memory_space<vmem>>) target_semaphore(%run_scoped3A : memref<!tpu.dma_semaphore, #tpu.memory_space<semaphore_mem>>)
      tpu.wait_dma2 semaphore(%run_scoped3A : memref<!tpu.dma_semaphore, #tpu.memory_space<semaphore_mem>>) src(%arg3 : memref<50x64xf32, #tpu.memory_space<hbm>>) dst(%arg10 : memref<50x64xf32, #tpu.memory_space<vmem>>)
      tpu.yield
    }) : () -> ()
    %mul3A_1 = arith.constant 200 : i32
    %mul3A_2 = arith.muli %add3A, %mul3A_1 : i32
    %add3A_3 = arith.constant 0 : i32
    %add3A_4 = arith.addi %mul3A_2, %add3A_3 : i32
    "tpu.region"() ({
      %run_scoped3A = tpu.sem_alloc : memref<!tpu.dma_semaphore, #tpu.memory_space<semaphore_mem>>
      %dma_start3A_90 = arith.constant 0 : i32
      %dma_start3A_91 = tpu.memref_slice %arg2[%add3A_4, %dma_start3A_90] : memref<6400x128xi32, #tpu.memory_space<hbm>> -> memref<100x128xi32, #tpu.memory_space<hbm>>
      %dma_start3A_92 = arith.constant 0 : i32
      %dma_start3A_93 = tpu.memref_slice %arg2[%add3A_4, %dma_start3A_92] : memref<6400x128xi32, #tpu.memory_space<hbm>> -> memref<100x128xi32, #tpu.memory_space<hbm>>
      tpu.enqueue_dma source(%dma_start3A_93 : memref<100x128xi32, #tpu.memory_space<hbm>>) target(%arg6 : memref<100x128xi32, #tpu.memory_space<vmem>>) target_semaphore(%run_scoped3A : memref<!tpu.dma_semaphore, #tpu.memory_space<semaphore_mem>>)
      %dma_wait3A_94 = arith.constant 0 : i32
      %dma_wait3A_95 = tpu.memref_slice %arg2[%add3A_4, %dma_wait3A_94] : memref<6400x128xi32, #tpu.memory_space<hbm>> -> memref<100x128xi32, #tpu.memory_space<hbm>>
      %dma_wait3A_96 = arith.constant 0 : i32
      %dma_wait3A_97 = tpu.memref_slice %arg2[%add3A_4, %dma_wait3A_96] : memref<6400x128xi32, #tpu.memory_space<hbm>> -> memref<100x128xi32, #tpu.memory_space<hbm>>
      tpu.wait_dma2 semaphore(%run_scoped3A : memref<!tpu.dma_semaphore, #tpu.memory_space<semaphore_mem>>) src(%dma_wait3A_97 : memref<100x128xi32, #tpu.memory_space<hbm>>) dst(%arg6 : memref<100x128xi32, #tpu.memory_space<vmem>>)
      tpu.yield
    }) : () -> ()
    %scan3A = arith.constant 0 : i32
    %scan3A_5 = arith.constant 0 : i32
    %scan3A_6 = arith.constant 100 : i32
    %scan3A_7 = arith.addi %scan3A_5, %scan3A_6 : i32
    %scan3A_8 = arith.constant 1 : i32
    scf.for %scan3A_90 = %scan3A_5 to %scan3A_7 step %scan3A_8  : i32 {
      %add3A_91 = arith.constant 0 : i32
      %add3A_92 = arith.addi %add3A_91, %scan3A_90 : i32
      %mul3A_93 = arith.constant 128 : i32
      %mul3A_94 = arith.muli %add3A_92, %mul3A_93 : i32
      %get3A = arith.index_cast %scan3A_90 : i32 to index
      %get3A_95 = arith.constant 0 : index
      %get3A_96 = tpu.vector_load %arg6[%get3A, %get3A_95] {strides = array<i32>} : memref<100x128xi32, #tpu.memory_space<vmem>>, vector<1x16xi32>,
      %get3A_97 = vector.shape_cast %get3A_96 : vector<1x16xi32> to vector<16xi32>
      %add3A_98 = arith.constant 0 : i32
      %add3A_99 = arith.addi %mul3A_94, %add3A_98 : i32
      %swap3A = arith.index_cast %add3A_99 : i32 to index
      %swap3A_100 = tpu.vector_load %arg7[%swap3A] {strides = array<i32>} : memref<25600xi32, #tpu.memory_space<vmem>>, vector<16xi32>,
      %swap3A_101 = vector.shape_cast %swap3A_100 : vector<16xi32> to vector<16xi32>
      %swap3A_102 = vector.shape_cast %get3A_97 : vector<16xi32> to vector<16xi32>
      tpu.vector_store %arg7[%swap3A], %swap3A_102 {strides = array<i32>} : memref<25600xi32, #tpu.memory_space<vmem>>, vector<16xi32>,
      %get3A_103 = arith.index_cast %scan3A_90 : i32 to index
      %get3A_104 = arith.constant 16 : index
      %get3A_105 = tpu.vector_load %arg6[%get3A_103, %get3A_104] {strides = array<i32>} : memref<100x128xi32, #tpu.memory_space<vmem>>, vector<1x16xi32>,
      %get3A_106 = vector.shape_cast %get3A_105 : vector<1x16xi32> to vector<16xi32>
      %add3A_107 = arith.constant 16 : i32
      %add3A_108 = arith.addi %mul3A_94, %add3A_107 : i32
      %swap3A_109 = arith.index_cast %add3A_108 : i32 to index
      %swap3A_110 = tpu.vector_load %arg7[%swap3A_109] {strides = array<i32>} : memref<25600xi32, #tpu.memory_space<vmem>>, vector<16xi32>,
      %swap3A_111 = vector.shape_cast %swap3A_110 : vector<16xi32> to vector<16xi32>
      %swap3A_112 = vector.shape_cast %get3A_106 : vector<16xi32> to vector<16xi32>
      tpu.vector_store %arg7[%swap3A_109], %swap3A_112 {strides = array<i32>} : memref<25600xi32, #tpu.memory_space<vmem>>, vector<16xi32>,
      %get3A_113 = arith.index_cast %scan3A_90 : i32 to index
      %get3A_114 = arith.constant 32 : index
      %get3A_115 = tpu.vector_load %arg6[%get3A_113, %get3A_114] {strides = array<i32>} : memref<100x128xi32, #tpu.memory_space<vmem>>, vector<1x16xi32>,
      %get3A_116 = vector.shape_cast %get3A_115 : vector<1x16xi32> to vector<16xi32>
      %add3A_117 = arith.constant 32 : i32
      %add3A_118 = arith.addi %mul3A_94, %add3A_117 : i32
      %swap3A_119 = arith.index_cast %add3A_118 : i32 to index
      %swap3A_120 = tpu.vector_load %arg7[%swap3A_119] {strides = array<i32>} : memref<25600xi32, #tpu.memory_space<vmem>>, vector<16xi32>,
      %swap3A_121 = vector.shape_cast %swap3A_120 : vector<16xi32> to vector<16xi32>
      %swap3A_122 = vector.shape_cast %get3A_116 : vector<16xi32> to vector<16xi32>
      tpu.vector_store %arg7[%swap3A_119], %swap3A_122 {strides = array<i32>} : memref<25600xi32, #tpu.memory_space<vmem>>, vector<16xi32>,
      %get3A_123 = arith.index_cast %scan3A_90 : i32 to index
      %get3A_124 = arith.constant 48 : index
      %get3A_125 = tpu.vector_load %arg6[%get3A_123, %get3A_124] {strides = array<i32>} : memref<100x128xi32, #tpu.memory_space<vmem>>, vector<1x16xi32>,
      %get3A_126 = vector.shape_cast %get3A_125 : vector<1x16xi32> to vector<16xi32>
      %add3A_127 = arith.constant 48 : i32
      %add3A_128 = arith.addi %mul3A_94, %add3A_127 : i32
      %swap3A_129 = arith.index_cast %add3A_128 : i32 to index
      %swap3A_130 = tpu.vector_load %arg7[%swap3A_129] {strides = array<i32>} : memref<25600xi32, #tpu.memory_space<vmem>>, vector<16xi32>,
      %swap3A_131 = vector.shape_cast %swap3A_130 : vector<16xi32> to vector<16xi32>
      %swap3A_132 = vector.shape_cast %get3A_126 : vector<16xi32> to vector<16xi32>
      tpu.vector_store %arg7[%swap3A_129], %swap3A_132 {strides = array<i32>} : memref<25600xi32, #tpu.memory_space<vmem>>, vector<16xi32>,
      %get3A_133 = arith.index_cast %scan3A_90 : i32 to index
      %get3A_134 = arith.constant 64 : index
      %get3A_135 = tpu.vector_load %arg6[%get3A_133, %get3A_134] {strides = array<i32>} : memref<100x128xi32, #tpu.memory_space<vmem>>, vector<1x16xi32>,
      %get3A_136 = vector.shape_cast %get3A_135 : vector<1x16xi32> to vector<16xi32>
      %add3A_137 = arith.constant 64 : i32
      %add3A_138 = arith.addi %mul3A_94, %add3A_137 : i32
      %swap3A_139 = arith.index_cast %add3A_138 : i32 to index
      %swap3A_140 = tpu.vector_load %arg7[%swap3A_139] {strides = array<i32>} : memref<25600xi32, #tpu.memory_space<vmem>>, vector<16xi32>,
      %swap3A_141 = vector.shape_cast %swap3A_140 : vector<16xi32> to vector<16xi32>
      %swap3A_142 = vector.shape_cast %get3A_136 : vector<16xi32> to vector<16xi32>
      tpu.vector_store %arg7[%swap3A_139], %swap3A_142 {strides = array<i32>} : memref<25600xi32, #tpu.memory_space<vmem>>, vector<16xi32>,
      %get3A_143 = arith.index_cast %scan3A_90 : i32 to index
      %get3A_144 = arith.constant 80 : index
      %get3A_145 = tpu.vector_load %arg6[%get3A_143, %get3A_144] {strides = array<i32>} : memref<100x128xi32, #tpu.memory_space<vmem>>, vector<1x16xi32>,
      %get3A_146 = vector.shape_cast %get3A_145 : vector<1x16xi32> to vector<16xi32>
      %add3A_147 = arith.constant 80 : i32
      %add3A_148 = arith.addi %mul3A_94, %add3A_147 : i32
      %swap3A_149 = arith.index_cast %add3A_148 : i32 to index
      %swap3A_150 = tpu.vector_load %arg7[%swap3A_149] {strides = array<i32>} : memref<25600xi32, #tpu.memory_space<vmem>>, vector<16xi32>,
      %swap3A_151 = vector.shape_cast %swap3A_150 : vector<16xi32> to vector<16xi32>
      %swap3A_152 = vector.shape_cast %get3A_146 : vector<16xi32> to vector<16xi32>
      tpu.vector_store %arg7[%swap3A_149], %swap3A_152 {strides = array<i32>} : memref<25600xi32, #tpu.memory_space<vmem>>, vector<16xi32>,
      %get3A_153 = arith.index_cast %scan3A_90 : i32 to index
      %get3A_154 = arith.constant 96 : index
      %get3A_155 = tpu.vector_load %arg6[%get3A_153, %get3A_154] {strides = array<i32>} : memref<100x128xi32, #tpu.memory_space<vmem>>, vector<1x16xi32>,
      %get3A_156 = vector.shape_cast %get3A_155 : vector<1x16xi32> to vector<16xi32>
      %add3A_157 = arith.constant 96 : i32
      %add3A_158 = arith.addi %mul3A_94, %add3A_157 : i32
      %swap3A_159 = arith.index_cast %add3A_158 : i32 to index
      %swap3A_160 = tpu.vector_load %arg7[%swap3A_159] {strides = array<i32>} : memref<25600xi32, #tpu.memory_space<vmem>>, vector<16xi32>,
      %swap3A_161 = vector.shape_cast %swap3A_160 : vector<16xi32> to vector<16xi32>
      %swap3A_162 = vector.shape_cast %get3A_156 : vector<16xi32> to vector<16xi32>
      tpu.vector_store %arg7[%swap3A_159], %swap3A_162 {strides = array<i32>} : memref<25600xi32, #tpu.memory_space<vmem>>, vector<16xi32>,
      %get3A_163 = arith.index_cast %scan3A_90 : i32 to index
      %get3A_164 = arith.constant 112 : index
      %get3A_165 = tpu.vector_load %arg6[%get3A_163, %get3A_164] {strides = array<i32>} : memref<100x128xi32, #tpu.memory_space<vmem>>, vector<1x16xi32>,
      %get3A_166 = vector.shape_cast %get3A_165 : vector<1x16xi32> to vector<16xi32>
      %add3A_167 = arith.constant 112 : i32
      %add3A_168 = arith.addi %mul3A_94, %add3A_167 : i32
      %swap3A_169 = arith.index_cast %add3A_168 : i32 to index
      %swap3A_170 = tpu.vector_load %arg7[%swap3A_169] {strides = array<i32>} : memref<25600xi32, #tpu.memory_space<vmem>>, vector<16xi32>,
      %swap3A_171 = vector.shape_cast %swap3A_170 : vector<16xi32> to vector<16xi32>
      %swap3A_172 = vector.shape_cast %get3A_166 : vector<16xi32> to vector<16xi32>
      tpu.vector_store %arg7[%swap3A_169], %swap3A_172 {strides = array<i32>} : memref<25600xi32, #tpu.memory_space<vmem>>, vector<16xi32>,
    }
    %scan3A_9 = arith.constant 100 : i32
    %mul3A_10 = arith.constant 200 : i32
    %mul3A_11 = arith.muli %add3A, %mul3A_10 : i32
    %add3A_12 = arith.constant 100 : i32
    %add3A_13 = arith.addi %mul3A_11, %add3A_12 : i32
    "tpu.region"() ({
      %run_scoped3A = tpu.sem_alloc : memref<!tpu.dma_semaphore, #tpu.memory_space<semaphore_mem>>
      %dma_start3A_90 = arith.constant 0 : i32
      %dma_start3A_91 = tpu.memref_slice %arg2[%add3A_13, %dma_start3A_90] : memref<6400x128xi32, #tpu.memory_space<hbm>> -> memref<100x128xi32, #tpu.memory_space<hbm>>
      %dma_start3A_92 = arith.constant 0 : i32
      %dma_start3A_93 = tpu.memref_slice %arg2[%add3A_13, %dma_start3A_92] : memref<6400x128xi32, #tpu.memory_space<hbm>> -> memref<100x128xi32, #tpu.memory_space<hbm>>
      tpu.enqueue_dma source(%dma_start3A_93 : memref<100x128xi32, #tpu.memory_space<hbm>>) target(%arg6 : memref<100x128xi32, #tpu.memory_space<vmem>>) target_semaphore(%run_scoped3A : memref<!tpu.dma_semaphore, #tpu.memory_space<semaphore_mem>>)
      %dma_wait3A_94 = arith.constant 0 : i32
      %dma_wait3A_95 = tpu.memref_slice %arg2[%add3A_13, %dma_wait3A_94] : memref<6400x128xi32, #tpu.memory_space<hbm>> -> memref<100x128xi32, #tpu.memory_space<hbm>>
      %dma_wait3A_96 = arith.constant 0 : i32
      %dma_wait3A_97 = tpu.memref_slice %arg2[%add3A_13, %dma_wait3A_96] : memref<6400x128xi32, #tpu.memory_space<hbm>> -> memref<100x128xi32, #tpu.memory_space<hbm>>
      tpu.wait_dma2 semaphore(%run_scoped3A : memref<!tpu.dma_semaphore, #tpu.memory_space<semaphore_mem>>) src(%dma_wait3A_97 : memref<100x128xi32, #tpu.memory_space<hbm>>) dst(%arg6 : memref<100x128xi32, #tpu.memory_space<vmem>>)
      tpu.yield
    }) : () -> ()
    %scan3A_14 = arith.constant 0 : i32
    %scan3A_15 = arith.constant 0 : i32
    %scan3A_16 = arith.constant 100 : i32
    %scan3A_17 = arith.addi %scan3A_15, %scan3A_16 : i32
    %scan3A_18 = arith.constant 1 : i32
    scf.for %scan3A_90 = %scan3A_15 to %scan3A_17 step %scan3A_18  : i32 {
      %add3A_91 = arith.constant 100 : i32
      %add3A_92 = arith.addi %add3A_91, %scan3A_90 : i32
      %mul3A_93 = arith.constant 128 : i32
      %mul3A_94 = arith.muli %add3A_92, %mul3A_93 : i32
      %get3A = arith.index_cast %scan3A_90 : i32 to index
      %get3A_95 = arith.constant 0 : index
      %get3A_96 = tpu.vector_load %arg6[%get3A, %get3A_95] {strides = array<i32>} : memref<100x128xi32, #tpu.memory_space<vmem>>, vector<1x16xi32>,
      %get3A_97 = vector.shape_cast %get3A_96 : vector<1x16xi32> to vector<16xi32>
      %add3A_98 = arith.constant 0 : i32
      %add3A_99 = arith.addi %mul3A_94, %add3A_98 : i32
      %swap3A = arith.index_cast %add3A_99 : i32 to index
      %swap3A_100 = tpu.vector_load %arg7[%swap3A] {strides = array<i32>} : memref<25600xi32, #tpu.memory_space<vmem>>, vector<16xi32>,
      %swap3A_101 = vector.shape_cast %swap3A_100 : vector<16xi32> to vector<16xi32>
      %swap3A_102 = vector.shape_cast %get3A_97 : vector<16xi32> to vector<16xi32>
      tpu.vector_store %arg7[%swap3A], %swap3A_102 {strides = array<i32>} : memref<25600xi32, #tpu.memory_space<vmem>>, vector<16xi32>,
      %get3A_103 = arith.index_cast %scan3A_90 : i32 to index
      %get3A_104 = arith.constant 16 : index
      %get3A_105 = tpu.vector_load %arg6[%get3A_103, %get3A_104] {strides = array<i32>} : memref<100x128xi32, #tpu.memory_space<vmem>>, vector<1x16xi32>,
      %get3A_106 = vector.shape_cast %get3A_105 : vector<1x16xi32> to vector<16xi32>
      %add3A_107 = arith.constant 16 : i32
      %add3A_108 = arith.addi %mul3A_94, %add3A_107 : i32
      %swap3A_109 = arith.index_cast %add3A_108 : i32 to index
      %swap3A_110 = tpu.vector_load %arg7[%swap3A_109] {strides = array<i32>} : memref<25600xi32, #tpu.memory_space<vmem>>, vector<16xi32>,
      %swap3A_111 = vector.shape_cast %swap3A_110 : vector<16xi32> to vector<16xi32>
      %swap3A_112 = vector.shape_cast %get3A_106 : vector<16xi32> to vector<16xi32>
      tpu.vector_store %arg7[%swap3A_109], %swap3A_112 {strides = array<i32>} : memref<25600xi32, #tpu.memory_space<vmem>>, vector<16xi32>,
      %get3A_113 = arith.index_cast %scan3A_90 : i32 to index
      %get3A_114 = arith.constant 32 : index
      %get3A_115 = tpu.vector_load %arg6[%get3A_113, %get3A_114] {strides = array<i32>} : memref<100x128xi32, #tpu.memory_space<vmem>>, vector<1x16xi32>,
      %get3A_116 = vector.shape_cast %get3A_115 : vector<1x16xi32> to vector<16xi32>
      %add3A_117 = arith.constant 32 : i32
      %add3A_118 = arith.addi %mul3A_94, %add3A_117 : i32
      %swap3A_119 = arith.index_cast %add3A_118 : i32 to index
      %swap3A_120 = tpu.vector_load %arg7[%swap3A_119] {strides = array<i32>} : memref<25600xi32, #tpu.memory_space<vmem>>, vector<16xi32>,
      %swap3A_121 = vector.shape_cast %swap3A_120 : vector<16xi32> to vector<16xi32>
      %swap3A_122 = vector.shape_cast %get3A_116 : vector<16xi32> to vector<16xi32>
      tpu.vector_store %arg7[%swap3A_119], %swap3A_122 {strides = array<i32>} : memref<25600xi32, #tpu.memory_space<vmem>>, vector<16xi32>,
      %get3A_123 = arith.index_cast %scan3A_90 : i32 to index
      %get3A_124 = arith.constant 48 : index
      %get3A_125 = tpu.vector_load %arg6[%get3A_123, %get3A_124] {strides = array<i32>} : memref<100x128xi32, #tpu.memory_space<vmem>>, vector<1x16xi32>,
      %get3A_126 = vector.shape_cast %get3A_125 : vector<1x16xi32> to vector<16xi32>
      %add3A_127 = arith.constant 48 : i32
      %add3A_128 = arith.addi %mul3A_94, %add3A_127 : i32
      %swap3A_129 = arith.index_cast %add3A_128 : i32 to index
      %swap3A_130 = tpu.vector_load %arg7[%swap3A_129] {strides = array<i32>} : memref<25600xi32, #tpu.memory_space<vmem>>, vector<16xi32>,
      %swap3A_131 = vector.shape_cast %swap3A_130 : vector<16xi32> to vector<16xi32>
      %swap3A_132 = vector.shape_cast %get3A_126 : vector<16xi32> to vector<16xi32>
      tpu.vector_store %arg7[%swap3A_129], %swap3A_132 {strides = array<i32>} : memref<25600xi32, #tpu.memory_space<vmem>>, vector<16xi32>,
      %get3A_133 = arith.index_cast %scan3A_90 : i32 to index
      %get3A_134 = arith.constant 64 : index
      %get3A_135 = tpu.vector_load %arg6[%get3A_133, %get3A_134] {strides = array<i32>} : memref<100x128xi32, #tpu.memory_space<vmem>>, vector<1x16xi32>,
      %get3A_136 = vector.shape_cast %get3A_135 : vector<1x16xi32> to vector<16xi32>
      %add3A_137 = arith.constant 64 : i32
      %add3A_138 = arith.addi %mul3A_94, %add3A_137 : i32
      %swap3A_139 = arith.index_cast %add3A_138 : i32 to index
      %swap3A_140 = tpu.vector_load %arg7[%swap3A_139] {strides = array<i32>} : memref<25600xi32, #tpu.memory_space<vmem>>, vector<16xi32>,
      %swap3A_141 = vector.shape_cast %swap3A_140 : vector<16xi32> to vector<16xi32>
      %swap3A_142 = vector.shape_cast %get3A_136 : vector<16xi32> to vector<16xi32>
      tpu.vector_store %arg7[%swap3A_139], %swap3A_142 {strides = array<i32>} : memref<25600xi32, #tpu.memory_space<vmem>>, vector<16xi32>,
      %get3A_143 = arith.index_cast %scan3A_90 : i32 to index
      %get3A_144 = arith.constant 80 : index
      %get3A_145 = tpu.vector_load %arg6[%get3A_143, %get3A_144] {strides = array<i32>} : memref<100x128xi32, #tpu.memory_space<vmem>>, vector<1x16xi32>,
      %get3A_146 = vector.shape_cast %get3A_145 : vector<1x16xi32> to vector<16xi32>
      %add3A_147 = arith.constant 80 : i32
      %add3A_148 = arith.addi %mul3A_94, %add3A_147 : i32
      %swap3A_149 = arith.index_cast %add3A_148 : i32 to index
      %swap3A_150 = tpu.vector_load %arg7[%swap3A_149] {strides = array<i32>} : memref<25600xi32, #tpu.memory_space<vmem>>, vector<16xi32>,
      %swap3A_151 = vector.shape_cast %swap3A_150 : vector<16xi32> to vector<16xi32>
      %swap3A_152 = vector.shape_cast %get3A_146 : vector<16xi32> to vector<16xi32>
      tpu.vector_store %arg7[%swap3A_149], %swap3A_152 {strides = array<i32>} : memref<25600xi32, #tpu.memory_space<vmem>>, vector<16xi32>,
      %get3A_153 = arith.index_cast %scan3A_90 : i32 to index
      %get3A_154 = arith.constant 96 : index
      %get3A_155 = tpu.vector_load %arg6[%get3A_153, %get3A_154] {strides = array<i32>} : memref<100x128xi32, #tpu.memory_space<vmem>>, vector<1x16xi32>,
      %get3A_156 = vector.shape_cast %get3A_155 : vector<1x16xi32> to vector<16xi32>
      %add3A_157 = arith.constant 96 : i32
      %add3A_158 = arith.addi %mul3A_94, %add3A_157 : i32
      %swap3A_159 = arith.index_cast %add3A_158 : i32 to index
      %swap3A_160 = tpu.vector_load %arg7[%swap3A_159] {strides = array<i32>} : memref<25600xi32, #tpu.memory_space<vmem>>, vector<16xi32>,
      %swap3A_161 = vector.shape_cast %swap3A_160 : vector<16xi32> to vector<16xi32>
      %swap3A_162 = vector.shape_cast %get3A_156 : vector<16xi32> to vector<16xi32>
      tpu.vector_store %arg7[%swap3A_159], %swap3A_162 {strides = array<i32>} : memref<25600xi32, #tpu.memory_space<vmem>>, vector<16xi32>,
      %get3A_163 = arith.index_cast %scan3A_90 : i32 to index
      %get3A_164 = arith.constant 112 : index
      %get3A_165 = tpu.vector_load %arg6[%get3A_163, %get3A_164] {strides = array<i32>} : memref<100x128xi32, #tpu.memory_space<vmem>>, vector<1x16xi32>,
      %get3A_166 = vector.shape_cast %get3A_165 : vector<1x16xi32> to vector<16xi32>
      %add3A_167 = arith.constant 112 : i32
      %add3A_168 = arith.addi %mul3A_94, %add3A_167 : i32
      %swap3A_169 = arith.index_cast %add3A_168 : i32 to index
      %swap3A_170 = tpu.vector_load %arg7[%swap3A_169] {strides = array<i32>} : memref<25600xi32, #tpu.memory_space<vmem>>, vector<16xi32>,
      %swap3A_171 = vector.shape_cast %swap3A_170 : vector<16xi32> to vector<16xi32>
      %swap3A_172 = vector.shape_cast %get3A_166 : vector<16xi32> to vector<16xi32>
      tpu.vector_store %arg7[%swap3A_169], %swap3A_172 {strides = array<i32>} : memref<25600xi32, #tpu.memory_space<vmem>>, vector<16xi32>,
    }
    %scan3A_19 = arith.constant 100 : i32
    %dma_start3A = arith.constant 0 : i32
    %dma_start3A_20 = arith.constant 0 : i32
    %dma_start3A_21 = arith.constant 0 : i32
    %dma_start3A_22 = tpu.memref_slice %arg8[%dma_start3A, %dma_start3A_20, %dma_start3A_21] : memref<2x200x128xf32, #tpu.memory_space<vmem>> -> memref<1x104x128xf32, #tpu.memory_space<vmem>>
    %dma_start3A_23 = tpu.memref_squeeze %dma_start3A_22 : memref<1x104x128xf32, #tpu.memory_space<vmem>> -> memref<104x128xf32, #tpu.memory_space<vmem>>
    %dma_start3A_24 = arith.constant 0 : i32
    %dma_start3A_25 = tpu.memref_slice %arg7[%dma_start3A_24] : memref<25600xi32, #tpu.memory_space<vmem>> -> memref<104xi32, #tpu.memory_space<vmem>>
    %dma_start3A_26 = arith.constant 0 : i32
    %dma_start3A_27 = arith.constant 0 : i32
    %dma_start3A_28 = tpu.memref_slice %arg4[%dma_start3A_26, %dma_start3A_27] : memref<1000000x128xf32, #tpu.memory_space<hbm>> -> memref<1000000x128xf32, #tpu.memory_space<hbm>>
    tpu.enqueue_indirect_dma source(%dma_start3A_28 : memref<1000000x128xf32, #tpu.memory_space<hbm>>) target(%dma_start3A_23 : memref<104x128xf32, #tpu.memory_space<vmem>>) offsets(%dma_start3A_25 : memref<104xi32, #tpu.memory_space<vmem>>) semaphore(%arg11 : memref<!tpu.dma_semaphore, #tpu.memory_space<semaphore_mem>>)
    %dma_start3A_29 = arith.constant 0 : i32
    %dma_start3A_30 = arith.constant 104 : i32
    %dma_start3A_31 = arith.constant 0 : i32
    %dma_start3A_32 = tpu.memref_slice %arg8[%dma_start3A_29, %dma_start3A_30, %dma_start3A_31] : memref<2x200x128xf32, #tpu.memory_space<vmem>> -> memref<1x96x128xf32, #tpu.memory_space<vmem>>
    %dma_start3A_33 = tpu.memref_squeeze %dma_start3A_32 : memref<1x96x128xf32, #tpu.memory_space<vmem>> -> memref<96x128xf32, #tpu.memory_space<vmem>>
    %dma_start3A_34 = arith.constant 104 : i32
    %dma_start3A_35 = tpu.memref_slice %arg7[%dma_start3A_34] : memref<25600xi32, #tpu.memory_space<vmem>> -> memref<96xi32, #tpu.memory_space<vmem>>
    %dma_start3A_36 = arith.constant 0 : i32
    %dma_start3A_37 = arith.constant 0 : i32
    %dma_start3A_38 = tpu.memref_slice %arg4[%dma_start3A_36, %dma_start3A_37] : memref<1000000x128xf32, #tpu.memory_space<hbm>> -> memref<1000000x128xf32, #tpu.memory_space<hbm>>
    tpu.enqueue_indirect_dma source(%dma_start3A_38 : memref<1000000x128xf32, #tpu.memory_space<hbm>>) target(%dma_start3A_33 : memref<96x128xf32, #tpu.memory_space<vmem>>) offsets(%dma_start3A_35 : memref<96xi32, #tpu.memory_space<vmem>>) semaphore(%arg11 : memref<!tpu.dma_semaphore, #tpu.memory_space<semaphore_mem>>)
    %scan3A_39 = arith.constant 0 : i32
    %scan3A_40 = arith.constant 0 : i32
    %scan3A_41 = arith.constant 64 : i32
    %scan3A_42 = arith.addi %scan3A_40, %scan3A_41 : i32
    %scan3A_43 = arith.constant 1 : i32
    scf.for %scan3A_90 = %scan3A_40 to %scan3A_42 step %scan3A_43  : i32 {
      %mul3A_91 = arith.constant 2 : i32
      %mul3A_92 = arith.muli %mul3A_91, %scan3A_90 : i32
      %add3A_93 = arith.constant 1 : i32
      %add3A_94 = arith.addi %mul3A_92, %add3A_93 : i32
      %mul3A_95 = arith.constant 200 : i32
      %mul3A_96 = arith.muli %add3A_94, %mul3A_95 : i32
      %add3A_97 = arith.constant 0 : i32
      %add3A_98 = arith.addi %mul3A_96, %add3A_97 : i32
      %mul3A_99 = arith.constant 200 : i32
      %mul3A_100 = arith.muli %add3A_94, %mul3A_99 : i32
      %add3A_101 = arith.constant 104 : i32
      %add3A_102 = arith.addi %mul3A_100, %add3A_101 : i32
      %dma_start3A_103 = arith.constant 1 : i32
      %dma_start3A_104 = arith.constant 0 : i32
      %dma_start3A_105 = arith.constant 0 : i32
      %dma_start3A_106 = tpu.memref_slice %arg8[%dma_start3A_103, %dma_start3A_104, %dma_start3A_105] : memref<2x200x128xf32, #tpu.memory_space<vmem>> -> memref<1x104x128xf32, #tpu.memory_space<vmem>>
      %dma_start3A_107 = tpu.memref_squeeze %dma_start3A_106 : memref<1x104x128xf32, #tpu.memory_space<vmem>> -> memref<104x128xf32, #tpu.memory_space<vmem>>
      %dma_start3A_108 = tpu.memref_slice %arg7[%add3A_98] : memref<25600xi32, #tpu.memory_space<vmem>> -> memref<104xi32, #tpu.memory_space<vmem>>
      %dma_start3A_109 = arith.constant 0 : i32
      %dma_start3A_110 = arith.constant 0 : i32
      %dma_start3A_111 = tpu.memref_slice %arg4[%dma_start3A_109, %dma_start3A_110] : memref<1000000x128xf32, #tpu.memory_space<hbm>> -> memref<1000000x128xf32, #tpu.memory_space<hbm>>
      tpu.enqueue_indirect_dma source(%dma_start3A_111 : memref<1000000x128xf32, #tpu.memory_space<hbm>>) target(%dma_start3A_107 : memref<104x128xf32, #tpu.memory_space<vmem>>) offsets(%dma_start3A_108 : memref<104xi32, #tpu.memory_space<vmem>>) semaphore(%arg12 : memref<!tpu.dma_semaphore, #tpu.memory_space<semaphore_mem>>)
      %dma_start3A_112 = arith.constant 1 : i32
      %dma_start3A_113 = arith.constant 104 : i32
      %dma_start3A_114 = arith.constant 0 : i32
      %dma_start3A_115 = tpu.memref_slice %arg8[%dma_start3A_112, %dma_start3A_113, %dma_start3A_114] : memref<2x200x128xf32, #tpu.memory_space<vmem>> -> memref<1x96x128xf32, #tpu.memory_space<vmem>>
      %dma_start3A_116 = tpu.memref_squeeze %dma_start3A_115 : memref<1x96x128xf32, #tpu.memory_space<vmem>> -> memref<96x128xf32, #tpu.memory_space<vmem>>
      %dma_start3A_117 = tpu.memref_slice %arg7[%add3A_102] : memref<25600xi32, #tpu.memory_space<vmem>> -> memref<96xi32, #tpu.memory_space<vmem>>
      %dma_start3A_118 = arith.constant 0 : i32
      %dma_start3A_119 = arith.constant 0 : i32
      %dma_start3A_120 = tpu.memref_slice %arg4[%dma_start3A_118, %dma_start3A_119] : memref<1000000x128xf32, #tpu.memory_space<hbm>> -> memref<1000000x128xf32, #tpu.memory_space<hbm>>
      tpu.enqueue_indirect_dma source(%dma_start3A_120 : memref<1000000x128xf32, #tpu.memory_space<hbm>>) target(%dma_start3A_116 : memref<96x128xf32, #tpu.memory_space<vmem>>) offsets(%dma_start3A_117 : memref<96xi32, #tpu.memory_space<vmem>>) semaphore(%arg12 : memref<!tpu.dma_semaphore, #tpu.memory_space<semaphore_mem>>)
      %mul3A_121 = arith.constant 200 : i32
      %mul3A_122 = arith.muli %mul3A_92, %mul3A_121 : i32
      %add3A_123 = arith.constant 0 : i32
      %add3A_124 = arith.addi %mul3A_122, %add3A_123 : i32
      %mul3A_125 = arith.constant 200 : i32
      %mul3A_126 = arith.muli %mul3A_92, %mul3A_125 : i32
      %add3A_127 = arith.constant 104 : i32
      %add3A_128 = arith.addi %mul3A_126, %add3A_127 : i32
      %dma_wait3A_129 = arith.constant 0 : i32
      %dma_wait3A_130 = arith.constant 0 : i32
      %dma_wait3A_131 = arith.constant 0 : i32
      %dma_wait3A_132 = tpu.memref_slice %arg8[%dma_wait3A_129, %dma_wait3A_130, %dma_wait3A_131] : memref<2x200x128xf32, #tpu.memory_space<vmem>> -> memref<1x104x128xf32, #tpu.memory_space<vmem>>
      %dma_wait3A_133 = tpu.memref_squeeze %dma_wait3A_132 : memref<1x104x128xf32, #tpu.memory_space<vmem>> -> memref<104x128xf32, #tpu.memory_space<vmem>>
      %dma_wait3A_134 = tpu.memref_slice %arg7[%add3A_124] : memref<25600xi32, #tpu.memory_space<vmem>> -> memref<104xi32, #tpu.memory_space<vmem>>
      %dma_wait3A_135 = arith.constant 0 : i32
      %dma_wait3A_136 = arith.constant 0 : i32
      %dma_wait3A_137 = tpu.memref_slice %arg4[%dma_wait3A_135, %dma_wait3A_136] : memref<1000000x128xf32, #tpu.memory_space<hbm>> -> memref<1000000x128xf32, #tpu.memory_space<hbm>>
      tpu.wait_indirect_dma semaphore(%arg11 : memref<!tpu.dma_semaphore, #tpu.memory_space<semaphore_mem>>) src(%dma_wait3A_137 : memref<1000000x128xf32, #tpu.memory_space<hbm>>) dst(%dma_wait3A_133 : memref<104x128xf32, #tpu.memory_space<vmem>>)
      %dma_wait3A_138 = arith.constant 0 : i32
      %dma_wait3A_139 = arith.constant 104 : i32
      %dma_wait3A_140 = arith.constant 0 : i32
      %dma_wait3A_141 = tpu.memref_slice %arg8[%dma_wait3A_138, %dma_wait3A_139, %dma_wait3A_140] : memref<2x200x128xf32, #tpu.memory_space<vmem>> -> memref<1x96x128xf32, #tpu.memory_space<vmem>>
      %dma_wait3A_142 = tpu.memref_squeeze %dma_wait3A_141 : memref<1x96x128xf32, #tpu.memory_space<vmem>> -> memref<96x128xf32, #tpu.memory_space<vmem>>
      %dma_wait3A_143 = tpu.memref_slice %arg7[%add3A_128] : memref<25600xi32, #tpu.memory_space<vmem>> -> memref<96xi32, #tpu.memory_space<vmem>>
      %dma_wait3A_144 = arith.constant 0 : i32
      %dma_wait3A_145 = arith.constant 0 : i32
      %dma_wait3A_146 = tpu.memref_slice %arg4[%dma_wait3A_144, %dma_wait3A_145] : memref<1000000x128xf32, #tpu.memory_space<hbm>> -> memref<1000000x128xf32, #tpu.memory_space<hbm>>
      tpu.wait_indirect_dma semaphore(%arg11 : memref<!tpu.dma_semaphore, #tpu.memory_space<semaphore_mem>>) src(%dma_wait3A_146 : memref<1000000x128xf32, #tpu.memory_space<hbm>>) dst(%dma_wait3A_142 : memref<96x128xf32, #tpu.memory_space<vmem>>)
      %ge3A = arith.constant 2 : i32
      %ge3A_147 = arith.cmpi sge, %mul3A_92, %ge3A : i32
      %convert_element_type3A = arith.extui %ge3A_147 : i1 to i32
      %cond3A = arith.constant 0 : i32
      %cond3A_148 = arith.cmpi ne, %convert_element_type3A, %cond3A : i32
      scf.if %cond3A_148 {
        %sub3A = arith.constant 2 : i32
        %sub3A_244 = arith.subi %mul3A_92, %sub3A : i32
        %mul3A_245 = arith.constant 128 : i32
        %mul3A_246 = arith.muli %add3A, %mul3A_245 : i32
        %add3A_247 = arith.addi %mul3A_246, %sub3A_244 : i32
        %mul3A_248 = arith.constant 4 : i32
        %mul3A_249 = arith.muli %add3A_247, %mul3A_248 : i32
        %dma_wait3A_250 = arith.constant 0 : i32
        %dma_wait3A_251 = arith.constant 0 : i32
        %dma_wait3A_252 = arith.constant 0 : i32
        %dma_wait3A_253 = arith.constant 0 : i32
        %dma_wait3A_254 = tpu.memref_slice %arg9[%dma_wait3A_250, %dma_wait3A_251, %dma_wait3A_252, %dma_wait3A_253] : memref<2x4x50x64xf32, #tpu.memory_space<vmem>> -> memref<1x4x50x64xf32, #tpu.memory_space<vmem>>
        %dma_wait3A_255 = tpu.memref_squeeze %dma_wait3A_254 : memref<1x4x50x64xf32, #tpu.memory_space<vmem>> -> memref<4x50x64xf32, #tpu.memory_space<vmem>>
        %dma_wait3A_256 = arith.constant 0 : i32
        %dma_wait3A_257 = arith.constant 0 : i32
        %dma_wait3A_258 = tpu.memref_slice %arg5[%mul3A_249, %dma_wait3A_256, %dma_wait3A_257] : memref<16384x50x64xf32, #tpu.memory_space<hbm>> -> memref<4x50x64xf32, #tpu.memory_space<hbm>>
        %dma_wait3A_259 = arith.constant 0 : i32
        %dma_wait3A_260 = arith.constant 0 : i32
        %dma_wait3A_261 = tpu.memref_slice %arg5[%mul3A_249, %dma_wait3A_259, %dma_wait3A_260] : memref<16384x50x64xf32, #tpu.memory_space<hbm>> -> memref<4x50x64xf32, #tpu.memory_space<hbm>>
        %dma_wait3A_262 = arith.constant 0 : i32
        %dma_wait3A_263 = arith.constant 0 : i32
        %dma_wait3A_264 = arith.constant 0 : i32
        %dma_wait3A_265 = tpu.memref_slice %arg9[%dma_wait3A_250, %dma_wait3A_262, %dma_wait3A_263, %dma_wait3A_264] : memref<2x4x50x64xf32, #tpu.memory_space<vmem>> -> memref<1x4x50x64xf32, #tpu.memory_space<vmem>>
        %dma_wait3A_266 = tpu.memref_squeeze %dma_wait3A_265 : memref<1x4x50x64xf32, #tpu.memory_space<vmem>> -> memref<4x50x64xf32, #tpu.memory_space<vmem>>
        tpu.wait_dma2 semaphore(%arg13 : memref<!tpu.dma_semaphore, #tpu.memory_space<semaphore_mem>>) src(%dma_wait3A_266 : memref<4x50x64xf32, #tpu.memory_space<vmem>>) dst(%dma_wait3A_261 : memref<4x50x64xf32, #tpu.memory_space<hbm>>)
      } else {
      }
      %scan3A_149 = arith.constant 0 : i32
      %scan3A_150 = arith.constant 0 : i32
      %scan3A_151 = arith.constant 4 : i32
      %scan3A_152 = arith.addi %scan3A_150, %scan3A_151 : i32
      %scan3A_153 = arith.constant 1 : i32
      scf.for %scan3A_244 = %scan3A_150 to %scan3A_152 step %scan3A_153  : i32 {
        %scan3A_245 = arith.constant 0 : i32
        %scan3A_246 = arith.constant 0 : i32
        %scan3A_247 = arith.constant 50 : i32
        %scan3A_248 = arith.addi %scan3A_246, %scan3A_247 : i32
        %scan3A_249 = arith.constant 1 : i32
        scf.for %scan3A_251 = %scan3A_246 to %scan3A_248 step %scan3A_249  : i32 {
          %mul3A_252 = arith.constant 50 : i32
          %mul3A_253 = arith.muli %scan3A_244, %mul3A_252 : i32
          %add3A_254 = arith.addi %mul3A_253, %scan3A_251 : i32
          %get3A = arith.constant 0 : i32
          %get3A_255 = arith.index_cast %get3A : i32 to index
          %get3A_256 = arith.index_cast %add3A_254 : i32 to index
          %get3A_257 = arith.constant 0 : index
          %get3A_258 = tpu.vector_load %arg8[%get3A_255, %get3A_256, %get3A_257] {strides = array<i32>} : memref<2x200x128xf32, #tpu.memory_space<vmem>>, vector<1x1x16xf32>,
          %get3A_259 = vector.shape_cast %get3A_258 : vector<1x1x16xf32> to vector<16xf32>
          %mul3A_260 = arith.constant 8.000000e+00 : f32
          %mul3A_261 = vector.broadcast %mul3A_260 : f32 to vector<16xf32>
          %mul3A_262 = arith.mulf %get3A_259, %mul3A_261 : vector<16xf32>
          %get3A_263 = arith.index_cast %scan3A_251 : i32 to index
          %get3A_264 = arith.constant 0 : index
          %get3A_265 = tpu.vector_load %arg10[%get3A_263, %get3A_264] {strides = array<i32>} : memref<50x64xf32, #tpu.memory_space<vmem>>, vector<1x16xf32>,
          %get3A_266 = vector.shape_cast %get3A_265 : vector<1x16xf32> to vector<16xf32>
          %add3A_267 = arith.addf %mul3A_262, %get3A_266 : vector<16xf32>
          %swap3A = arith.constant 0 : i32
          %swap3A_268 = arith.index_cast %swap3A : i32 to index
          %swap3A_269 = arith.index_cast %scan3A_244 : i32 to index
          %swap3A_270 = arith.index_cast %scan3A_251 : i32 to index
          %swap3A_271 = arith.constant 0 : index
          %swap3A_272 = tpu.vector_load %arg9[%swap3A_268, %swap3A_269, %swap3A_270, %swap3A_271] {strides = array<i32>} : memref<2x4x50x64xf32, #tpu.memory_space<vmem>>, vector<1x1x1x16xf32>,
          %swap3A_273 = vector.shape_cast %swap3A_272 : vector<1x1x1x16xf32> to vector<16xf32>
          %swap3A_274 = vector.shape_cast %add3A_267 : vector<16xf32> to vector<1x1x1x16xf32>
          tpu.vector_store %arg9[%swap3A_268, %swap3A_269, %swap3A_270, %swap3A_271], %swap3A_274 {strides = array<i32>} : memref<2x4x50x64xf32, #tpu.memory_space<vmem>>, vector<1x1x1x16xf32>,
          %get3A_275 = arith.constant 0 : i32
          %get3A_276 = arith.index_cast %get3A_275 : i32 to index
          %get3A_277 = arith.index_cast %add3A_254 : i32 to index
          %get3A_278 = arith.constant 16 : index
          %get3A_279 = tpu.vector_load %arg8[%get3A_276, %get3A_277, %get3A_278] {strides = array<i32>} : memref<2x200x128xf32, #tpu.memory_space<vmem>>, vector<1x1x16xf32>,
          %get3A_280 = vector.shape_cast %get3A_279 : vector<1x1x16xf32> to vector<16xf32>
          %mul3A_281 = arith.constant 8.000000e+00 : f32
          %mul3A_282 = vector.broadcast %mul3A_281 : f32 to vector<16xf32>
          %mul3A_283 = arith.mulf %get3A_280, %mul3A_282 : vector<16xf32>
          %get3A_284 = arith.index_cast %scan3A_251 : i32 to index
          %get3A_285 = arith.constant 16 : index
          %get3A_286 = tpu.vector_load %arg10[%get3A_284, %get3A_285] {strides = array<i32>} : memref<50x64xf32, #tpu.memory_space<vmem>>, vector<1x16xf32>,
          %get3A_287 = vector.shape_cast %get3A_286 : vector<1x16xf32> to vector<16xf32>
          %add3A_288 = arith.addf %mul3A_283, %get3A_287 : vector<16xf32>
          %swap3A_289 = arith.constant 0 : i32
          %swap3A_290 = arith.index_cast %swap3A_289 : i32 to index
          %swap3A_291 = arith.index_cast %scan3A_244 : i32 to index
          %swap3A_292 = arith.index_cast %scan3A_251 : i32 to index
          %swap3A_293 = arith.constant 16 : index
          %swap3A_294 = tpu.vector_load %arg9[%swap3A_290, %swap3A_291, %swap3A_292, %swap3A_293] {strides = array<i32>} : memref<2x4x50x64xf32, #tpu.memory_space<vmem>>, vector<1x1x1x16xf32>,
          %swap3A_295 = vector.shape_cast %swap3A_294 : vector<1x1x1x16xf32> to vector<16xf32>
          %swap3A_296 = vector.shape_cast %add3A_288 : vector<16xf32> to vector<1x1x1x16xf32>
          tpu.vector_store %arg9[%swap3A_290, %swap3A_291, %swap3A_292, %swap3A_293], %swap3A_296 {strides = array<i32>} : memref<2x4x50x64xf32, #tpu.memory_space<vmem>>, vector<1x1x1x16xf32>,
          %get3A_297 = arith.constant 0 : i32
          %get3A_298 = arith.index_cast %get3A_297 : i32 to index
          %get3A_299 = arith.index_cast %add3A_254 : i32 to index
          %get3A_300 = arith.constant 32 : index
          %get3A_301 = tpu.vector_load %arg8[%get3A_298, %get3A_299, %get3A_300] {strides = array<i32>} : memref<2x200x128xf32, #tpu.memory_space<vmem>>, vector<1x1x16xf32>,
          %get3A_302 = vector.shape_cast %get3A_301 : vector<1x1x16xf32> to vector<16xf32>
          %mul3A_303 = arith.constant 8.000000e+00 : f32
          %mul3A_304 = vector.broadcast %mul3A_303 : f32 to vector<16xf32>
          %mul3A_305 = arith.mulf %get3A_302, %mul3A_304 : vector<16xf32>
          %get3A_306 = arith.index_cast %scan3A_251 : i32 to index
          %get3A_307 = arith.constant 32 : index
          %get3A_308 = tpu.vector_load %arg10[%get3A_306, %get3A_307] {strides = array<i32>} : memref<50x64xf32, #tpu.memory_space<vmem>>, vector<1x16xf32>,
          %get3A_309 = vector.shape_cast %get3A_308 : vector<1x16xf32> to vector<16xf32>
          %add3A_310 = arith.addf %mul3A_305, %get3A_309 : vector<16xf32>
          %swap3A_311 = arith.constant 0 : i32
          %swap3A_312 = arith.index_cast %swap3A_311 : i32 to index
          %swap3A_313 = arith.index_cast %scan3A_244 : i32 to index
          %swap3A_314 = arith.index_cast %scan3A_251 : i32 to index
          %swap3A_315 = arith.constant 32 : index
          %swap3A_316 = tpu.vector_load %arg9[%swap3A_312, %swap3A_313, %swap3A_314, %swap3A_315] {strides = array<i32>} : memref<2x4x50x64xf32, #tpu.memory_space<vmem>>, vector<1x1x1x16xf32>,
          %swap3A_317 = vector.shape_cast %swap3A_316 : vector<1x1x1x16xf32> to vector<16xf32>
          %swap3A_318 = vector.shape_cast %add3A_310 : vector<16xf32> to vector<1x1x1x16xf32>
          tpu.vector_store %arg9[%swap3A_312, %swap3A_313, %swap3A_314, %swap3A_315], %swap3A_318 {strides = array<i32>} : memref<2x4x50x64xf32, #tpu.memory_space<vmem>>, vector<1x1x1x16xf32>,
          %get3A_319 = arith.constant 0 : i32
          %get3A_320 = arith.index_cast %get3A_319 : i32 to index
          %get3A_321 = arith.index_cast %add3A_254 : i32 to index
          %get3A_322 = arith.constant 48 : index
          %get3A_323 = tpu.vector_load %arg8[%get3A_320, %get3A_321, %get3A_322] {strides = array<i32>} : memref<2x200x128xf32, #tpu.memory_space<vmem>>, vector<1x1x16xf32>,
          %get3A_324 = vector.shape_cast %get3A_323 : vector<1x1x16xf32> to vector<16xf32>
          %mul3A_325 = arith.constant 8.000000e+00 : f32
          %mul3A_326 = vector.broadcast %mul3A_325 : f32 to vector<16xf32>
          %mul3A_327 = arith.mulf %get3A_324, %mul3A_326 : vector<16xf32>
          %get3A_328 = arith.index_cast %scan3A_251 : i32 to index
          %get3A_329 = arith.constant 48 : index
          %get3A_330 = tpu.vector_load %arg10[%get3A_328, %get3A_329] {strides = array<i32>} : memref<50x64xf32, #tpu.memory_space<vmem>>, vector<1x16xf32>,
          %get3A_331 = vector.shape_cast %get3A_330 : vector<1x16xf32> to vector<16xf32>
          %add3A_332 = arith.addf %mul3A_327, %get3A_331 : vector<16xf32>
          %swap3A_333 = arith.constant 0 : i32
          %swap3A_334 = arith.index_cast %swap3A_333 : i32 to index
          %swap3A_335 = arith.index_cast %scan3A_244 : i32 to index
          %swap3A_336 = arith.index_cast %scan3A_251 : i32 to index
          %swap3A_337 = arith.constant 48 : index
          %swap3A_338 = tpu.vector_load %arg9[%swap3A_334, %swap3A_335, %swap3A_336, %swap3A_337] {strides = array<i32>} : memref<2x4x50x64xf32, #tpu.memory_space<vmem>>, vector<1x1x1x16xf32>,
          %swap3A_339 = vector.shape_cast %swap3A_338 : vector<1x1x1x16xf32> to vector<16xf32>
          %swap3A_340 = vector.shape_cast %add3A_332 : vector<16xf32> to vector<1x1x1x16xf32>
          tpu.vector_store %arg9[%swap3A_334, %swap3A_335, %swap3A_336, %swap3A_337], %swap3A_340 {strides = array<i32>} : memref<2x4x50x64xf32, #tpu.memory_space<vmem>>, vector<1x1x1x16xf32>,
        }
        %scan3A_250 = arith.constant 50 : i32
      }
      %scan3A_154 = arith.constant 4 : i32
      %mul3A_155 = arith.constant 128 : i32
      %mul3A_156 = arith.muli %add3A, %mul3A_155 : i32
      %add3A_157 = arith.addi %mul3A_156, %mul3A_92 : i32
      %mul3A_158 = arith.constant 4 : i32
      %mul3A_159 = arith.muli %add3A_157, %mul3A_158 : i32
      %dma_start3A_160 = arith.constant 0 : i32
      %dma_start3A_161 = arith.constant 0 : i32
      %dma_start3A_162 = arith.constant 0 : i32
      %dma_start3A_163 = arith.constant 0 : i32
      %dma_start3A_164 = tpu.memref_slice %arg9[%dma_start3A_160, %dma_start3A_161, %dma_start3A_162, %dma_start3A_163] : memref<2x4x50x64xf32, #tpu.memory_space<vmem>> -> memref<1x4x50x64xf32, #tpu.memory_space<vmem>>
      %dma_start3A_165 = tpu.memref_squeeze %dma_start3A_164 : memref<1x4x50x64xf32, #tpu.memory_space<vmem>> -> memref<4x50x64xf32, #tpu.memory_space<vmem>>
      %dma_start3A_166 = arith.constant 0 : i32
      %dma_start3A_167 = arith.constant 0 : i32
      %dma_start3A_168 = tpu.memref_slice %arg5[%mul3A_159, %dma_start3A_166, %dma_start3A_167] : memref<16384x50x64xf32, #tpu.memory_space<hbm>> -> memref<4x50x64xf32, #tpu.memory_space<hbm>>
      %dma_start3A_169 = arith.constant 0 : i32
      %dma_start3A_170 = arith.constant 0 : i32
      %dma_start3A_171 = tpu.memref_slice %arg5[%mul3A_159, %dma_start3A_169, %dma_start3A_170] : memref<16384x50x64xf32, #tpu.memory_space<hbm>> -> memref<4x50x64xf32, #tpu.memory_space<hbm>>
      %dma_start3A_172 = arith.constant 0 : i32
      %dma_start3A_173 = arith.constant 0 : i32
      %dma_start3A_174 = arith.constant 0 : i32
      %dma_start3A_175 = tpu.memref_slice %arg9[%dma_start3A_160, %dma_start3A_172, %dma_start3A_173, %dma_start3A_174] : memref<2x4x50x64xf32, #tpu.memory_space<vmem>> -> memref<1x4x50x64xf32, #tpu.memory_space<vmem>>
      %dma_start3A_176 = tpu.memref_squeeze %dma_start3A_175 : memref<1x4x50x64xf32, #tpu.memory_space<vmem>> -> memref<4x50x64xf32, #tpu.memory_space<vmem>>
      tpu.enqueue_dma source(%dma_start3A_176 : memref<4x50x64xf32, #tpu.memory_space<vmem>>) target(%dma_start3A_171 : memref<4x50x64xf32, #tpu.memory_space<hbm>>) target_semaphore(%arg13 : memref<!tpu.dma_semaphore, #tpu.memory_space<semaphore_mem>>)
      %add3A_177 = arith.constant 2 : i32
      %add3A_178 = arith.addi %mul3A_92, %add3A_177 : i32
      %lt3A = arith.constant 128 : i32
      %lt3A_179 = arith.cmpi slt, %add3A_178, %lt3A : i32
      %convert_element_type3A_180 = arith.extui %lt3A_179 : i1 to i32
      %cond3A_181 = arith.constant 0 : i32
      %cond3A_182 = arith.cmpi ne, %convert_element_type3A_180, %cond3A_181 : i32
      scf.if %cond3A_182 {
        %add3A_244 = arith.constant 2 : i32
        %add3A_245 = arith.addi %mul3A_92, %add3A_244 : i32
        %mul3A_246 = arith.constant 200 : i32
        %mul3A_247 = arith.muli %add3A_245, %mul3A_246 : i32
        %add3A_248 = arith.constant 0 : i32
        %add3A_249 = arith.addi %mul3A_247, %add3A_248 : i32
        %mul3A_250 = arith.constant 200 : i32
        %mul3A_251 = arith.muli %add3A_245, %mul3A_250 : i32
        %add3A_252 = arith.constant 104 : i32
        %add3A_253 = arith.addi %mul3A_251, %add3A_252 : i32
        %dma_start3A_254 = arith.constant 0 : i32
        %dma_start3A_255 = arith.constant 0 : i32
        %dma_start3A_256 = arith.constant 0 : i32
        %dma_start3A_257 = tpu.memref_slice %arg8[%dma_start3A_254, %dma_start3A_255, %dma_start3A_256] : memref<2x200x128xf32, #tpu.memory_space<vmem>> -> memref<1x104x128xf32, #tpu.memory_space<vmem>>
        %dma_start3A_258 = tpu.memref_squeeze %dma_start3A_257 : memref<1x104x128xf32, #tpu.memory_space<vmem>> -> memref<104x128xf32, #tpu.memory_space<vmem>>
        %dma_start3A_259 = tpu.memref_slice %arg7[%add3A_249] : memref<25600xi32, #tpu.memory_space<vmem>> -> memref<104xi32, #tpu.memory_space<vmem>>
        %dma_start3A_260 = arith.constant 0 : i32
        %dma_start3A_261 = arith.constant 0 : i32
        %dma_start3A_262 = tpu.memref_slice %arg4[%dma_start3A_260, %dma_start3A_261] : memref<1000000x128xf32, #tpu.memory_space<hbm>> -> memref<1000000x128xf32, #tpu.memory_space<hbm>>
        tpu.enqueue_indirect_dma source(%dma_start3A_262 : memref<1000000x128xf32, #tpu.memory_space<hbm>>) target(%dma_start3A_258 : memref<104x128xf32, #tpu.memory_space<vmem>>) offsets(%dma_start3A_259 : memref<104xi32, #tpu.memory_space<vmem>>) semaphore(%arg11 : memref<!tpu.dma_semaphore, #tpu.memory_space<semaphore_mem>>)
        %dma_start3A_263 = arith.constant 0 : i32
        %dma_start3A_264 = arith.constant 104 : i32
        %dma_start3A_265 = arith.constant 0 : i32
        %dma_start3A_266 = tpu.memref_slice %arg8[%dma_start3A_263, %dma_start3A_264, %dma_start3A_265] : memref<2x200x128xf32, #tpu.memory_space<vmem>> -> memref<1x96x128xf32, #tpu.memory_space<vmem>>
        %dma_start3A_267 = tpu.memref_squeeze %dma_start3A_266 : memref<1x96x128xf32, #tpu.memory_space<vmem>> -> memref<96x128xf32, #tpu.memory_space<vmem>>
        %dma_start3A_268 = tpu.memref_slice %arg7[%add3A_253] : memref<25600xi32, #tpu.memory_space<vmem>> -> memref<96xi32, #tpu.memory_space<vmem>>
        %dma_start3A_269 = arith.constant 0 : i32
        %dma_start3A_270 = arith.constant 0 : i32
        %dma_start3A_271 = tpu.memref_slice %arg4[%dma_start3A_269, %dma_start3A_270] : memref<1000000x128xf32, #tpu.memory_space<hbm>> -> memref<1000000x128xf32, #tpu.memory_space<hbm>>
        tpu.enqueue_indirect_dma source(%dma_start3A_271 : memref<1000000x128xf32, #tpu.memory_space<hbm>>) target(%dma_start3A_267 : memref<96x128xf32, #tpu.memory_space<vmem>>) offsets(%dma_start3A_268 : memref<96xi32, #tpu.memory_space<vmem>>) semaphore(%arg11 : memref<!tpu.dma_semaphore, #tpu.memory_space<semaphore_mem>>)
      } else {
      }
      %add3A_183 = arith.constant 1 : i32
      %add3A_184 = arith.addi %mul3A_92, %add3A_183 : i32
      %mul3A_185 = arith.constant 200 : i32
      %mul3A_186 = arith.muli %add3A_184, %mul3A_185 : i32
      %add3A_187 = arith.constant 0 : i32
      %add3A_188 = arith.addi %mul3A_186, %add3A_187 : i32
      %mul3A_189 = arith.constant 200 : i32
      %mul3A_190 = arith.muli %add3A_184, %mul3A_189 : i32
      %add3A_191 = arith.constant 104 : i32
      %add3A_192 = arith.addi %mul3A_190, %add3A_191 : i32
      %dma_wait3A_193 = arith.constant 1 : i32
      %dma_wait3A_194 = arith.constant 0 : i32
      %dma_wait3A_195 = arith.constant 0 : i32
      %dma_wait3A_196 = tpu.memref_slice %arg8[%dma_wait3A_193, %dma_wait3A_194, %dma_wait3A_195] : memref<2x200x128xf32, #tpu.memory_space<vmem>> -> memref<1x104x128xf32, #tpu.memory_space<vmem>>
      %dma_wait3A_197 = tpu.memref_squeeze %dma_wait3A_196 : memref<1x104x128xf32, #tpu.memory_space<vmem>> -> memref<104x128xf32, #tpu.memory_space<vmem>>
      %dma_wait3A_198 = tpu.memref_slice %arg7[%add3A_188] : memref<25600xi32, #tpu.memory_space<vmem>> -> memref<104xi32, #tpu.memory_space<vmem>>
      %dma_wait3A_199 = arith.constant 0 : i32
      %dma_wait3A_200 = arith.constant 0 : i32
      %dma_wait3A_201 = tpu.memref_slice %arg4[%dma_wait3A_199, %dma_wait3A_200] : memref<1000000x128xf32, #tpu.memory_space<hbm>> -> memref<1000000x128xf32, #tpu.memory_space<hbm>>
      tpu.wait_indirect_dma semaphore(%arg12 : memref<!tpu.dma_semaphore, #tpu.memory_space<semaphore_mem>>) src(%dma_wait3A_201 : memref<1000000x128xf32, #tpu.memory_space<hbm>>) dst(%dma_wait3A_197 : memref<104x128xf32, #tpu.memory_space<vmem>>)
      %dma_wait3A_202 = arith.constant 1 : i32
      %dma_wait3A_203 = arith.constant 104 : i32
      %dma_wait3A_204 = arith.constant 0 : i32
      %dma_wait3A_205 = tpu.memref_slice %arg8[%dma_wait3A_202, %dma_wait3A_203, %dma_wait3A_204] : memref<2x200x128xf32, #tpu.memory_space<vmem>> -> memref<1x96x128xf32, #tpu.memory_space<vmem>>
      %dma_wait3A_206 = tpu.memref_squeeze %dma_wait3A_205 : memref<1x96x128xf32, #tpu.memory_space<vmem>> -> memref<96x128xf32, #tpu.memory_space<vmem>>
      %dma_wait3A_207 = tpu.memref_slice %arg7[%add3A_192] : memref<25600xi32, #tpu.memory_space<vmem>> -> memref<96xi32, #tpu.memory_space<vmem>>
      %dma_wait3A_208 = arith.constant 0 : i32
      %dma_wait3A_209 = arith.constant 0 : i32
      %dma_wait3A_210 = tpu.memref_slice %arg4[%dma_wait3A_208, %dma_wait3A_209] : memref<1000000x128xf32, #tpu.memory_space<hbm>> -> memref<1000000x128xf32, #tpu.memory_space<hbm>>
      tpu.wait_indirect_dma semaphore(%arg12 : memref<!tpu.dma_semaphore, #tpu.memory_space<semaphore_mem>>) src(%dma_wait3A_210 : memref<1000000x128xf32, #tpu.memory_space<hbm>>) dst(%dma_wait3A_206 : memref<96x128xf32, #tpu.memory_space<vmem>>)
      %ge3A_211 = arith.constant 2 : i32
      %ge3A_212 = arith.cmpi sge, %add3A_184, %ge3A_211 : i32
      %convert_element_type3A_213 = arith.extui %ge3A_212 : i1 to i32
      %cond3A_214 = arith.constant 0 : i32
      %cond3A_215 = arith.cmpi ne, %convert_element_type3A_213, %cond3A_214 : i32
      scf.if %cond3A_215 {
        %sub3A = arith.constant 2 : i32
        %sub3A_244 = arith.subi %add3A_184, %sub3A : i32
        %mul3A_245 = arith.constant 128 : i32
        %mul3A_246 = arith.muli %add3A, %mul3A_245 : i32
        %add3A_247 = arith.addi %mul3A_246, %sub3A_244 : i32
        %mul3A_248 = arith.constant 4 : i32
        %mul3A_249 = arith.muli %add3A_247, %mul3A_248 : i32
        %dma_wait3A_250 = arith.constant 1 : i32
        %dma_wait3A_251 = arith.constant 0 : i32
        %dma_wait3A_252 = arith.constant 0 : i32
        %dma_wait3A_253 = arith.constant 0 : i32
        %dma_wait3A_254 = tpu.memref_slice %arg9[%dma_wait3A_250, %dma_wait3A_251, %dma_wait3A_252, %dma_wait3A_253] : memref<2x4x50x64xf32, #tpu.memory_space<vmem>> -> memref<1x4x50x64xf32, #tpu.memory_space<vmem>>
        %dma_wait3A_255 = tpu.memref_squeeze %dma_wait3A_254 : memref<1x4x50x64xf32, #tpu.memory_space<vmem>> -> memref<4x50x64xf32, #tpu.memory_space<vmem>>
        %dma_wait3A_256 = arith.constant 0 : i32
        %dma_wait3A_257 = arith.constant 0 : i32
        %dma_wait3A_258 = tpu.memref_slice %arg5[%mul3A_249, %dma_wait3A_256, %dma_wait3A_257] : memref<16384x50x64xf32, #tpu.memory_space<hbm>> -> memref<4x50x64xf32, #tpu.memory_space<hbm>>
        %dma_wait3A_259 = arith.constant 0 : i32
        %dma_wait3A_260 = arith.constant 0 : i32
        %dma_wait3A_261 = tpu.memref_slice %arg5[%mul3A_249, %dma_wait3A_259, %dma_wait3A_260] : memref<16384x50x64xf32, #tpu.memory_space<hbm>> -> memref<4x50x64xf32, #tpu.memory_space<hbm>>
        %dma_wait3A_262 = arith.constant 0 : i32
        %dma_wait3A_263 = arith.constant 0 : i32
        %dma_wait3A_264 = arith.constant 0 : i32
        %dma_wait3A_265 = tpu.memref_slice %arg9[%dma_wait3A_250, %dma_wait3A_262, %dma_wait3A_263, %dma_wait3A_264] : memref<2x4x50x64xf32, #tpu.memory_space<vmem>> -> memref<1x4x50x64xf32, #tpu.memory_space<vmem>>
        %dma_wait3A_266 = tpu.memref_squeeze %dma_wait3A_265 : memref<1x4x50x64xf32, #tpu.memory_space<vmem>> -> memref<4x50x64xf32, #tpu.memory_space<vmem>>
        tpu.wait_dma2 semaphore(%arg14 : memref<!tpu.dma_semaphore, #tpu.memory_space<semaphore_mem>>) src(%dma_wait3A_266 : memref<4x50x64xf32, #tpu.memory_space<vmem>>) dst(%dma_wait3A_261 : memref<4x50x64xf32, #tpu.memory_space<hbm>>)
      } else {
      }
      %scan3A_216 = arith.constant 0 : i32
      %scan3A_217 = arith.constant 0 : i32
      %scan3A_218 = arith.constant 4 : i32
      %scan3A_219 = arith.addi %scan3A_217, %scan3A_218 : i32
      %scan3A_220 = arith.constant 1 : i32
      scf.for %scan3A_244 = %scan3A_217 to %scan3A_219 step %scan3A_220  : i32 {
        %scan3A_245 = arith.constant 0 : i32
        %scan3A_246 = arith.constant 0 : i32
        %scan3A_247 = arith.constant 50 : i32
        %scan3A_248 = arith.addi %scan3A_246, %scan3A_247 : i32
        %scan3A_249 = arith.constant 1 : i32
        scf.for %scan3A_251 = %scan3A_246 to %scan3A_248 step %scan3A_249  : i32 {
          %mul3A_252 = arith.constant 50 : i32
          %mul3A_253 = arith.muli %scan3A_244, %mul3A_252 : i32
          %add3A_254 = arith.addi %mul3A_253, %scan3A_251 : i32
          %get3A = arith.constant 1 : i32
          %get3A_255 = arith.index_cast %get3A : i32 to index
          %get3A_256 = arith.index_cast %add3A_254 : i32 to index
          %get3A_257 = arith.constant 0 : index
          %get3A_258 = tpu.vector_load %arg8[%get3A_255, %get3A_256, %get3A_257] {strides = array<i32>} : memref<2x200x128xf32, #tpu.memory_space<vmem>>, vector<1x1x16xf32>,
          %get3A_259 = vector.shape_cast %get3A_258 : vector<1x1x16xf32> to vector<16xf32>
          %mul3A_260 = arith.constant 8.000000e+00 : f32
          %mul3A_261 = vector.broadcast %mul3A_260 : f32 to vector<16xf32>
          %mul3A_262 = arith.mulf %get3A_259, %mul3A_261 : vector<16xf32>
          %get3A_263 = arith.index_cast %scan3A_251 : i32 to index
          %get3A_264 = arith.constant 0 : index
          %get3A_265 = tpu.vector_load %arg10[%get3A_263, %get3A_264] {strides = array<i32>} : memref<50x64xf32, #tpu.memory_space<vmem>>, vector<1x16xf32>,
          %get3A_266 = vector.shape_cast %get3A_265 : vector<1x16xf32> to vector<16xf32>
          %add3A_267 = arith.addf %mul3A_262, %get3A_266 : vector<16xf32>
          %swap3A = arith.constant 1 : i32
          %swap3A_268 = arith.index_cast %swap3A : i32 to index
          %swap3A_269 = arith.index_cast %scan3A_244 : i32 to index
          %swap3A_270 = arith.index_cast %scan3A_251 : i32 to index
          %swap3A_271 = arith.constant 0 : index
          %swap3A_272 = tpu.vector_load %arg9[%swap3A_268, %swap3A_269, %swap3A_270, %swap3A_271] {strides = array<i32>} : memref<2x4x50x64xf32, #tpu.memory_space<vmem>>, vector<1x1x1x16xf32>,
          %swap3A_273 = vector.shape_cast %swap3A_272 : vector<1x1x1x16xf32> to vector<16xf32>
          %swap3A_274 = vector.shape_cast %add3A_267 : vector<16xf32> to vector<1x1x1x16xf32>
          tpu.vector_store %arg9[%swap3A_268, %swap3A_269, %swap3A_270, %swap3A_271], %swap3A_274 {strides = array<i32>} : memref<2x4x50x64xf32, #tpu.memory_space<vmem>>, vector<1x1x1x16xf32>,
          %get3A_275 = arith.constant 1 : i32
          %get3A_276 = arith.index_cast %get3A_275 : i32 to index
          %get3A_277 = arith.index_cast %add3A_254 : i32 to index
          %get3A_278 = arith.constant 16 : index
          %get3A_279 = tpu.vector_load %arg8[%get3A_276, %get3A_277, %get3A_278] {strides = array<i32>} : memref<2x200x128xf32, #tpu.memory_space<vmem>>, vector<1x1x16xf32>,
          %get3A_280 = vector.shape_cast %get3A_279 : vector<1x1x16xf32> to vector<16xf32>
          %mul3A_281 = arith.constant 8.000000e+00 : f32
          %mul3A_282 = vector.broadcast %mul3A_281 : f32 to vector<16xf32>
          %mul3A_283 = arith.mulf %get3A_280, %mul3A_282 : vector<16xf32>
          %get3A_284 = arith.index_cast %scan3A_251 : i32 to index
          %get3A_285 = arith.constant 16 : index
          %get3A_286 = tpu.vector_load %arg10[%get3A_284, %get3A_285] {strides = array<i32>} : memref<50x64xf32, #tpu.memory_space<vmem>>, vector<1x16xf32>,
          %get3A_287 = vector.shape_cast %get3A_286 : vector<1x16xf32> to vector<16xf32>
          %add3A_288 = arith.addf %mul3A_283, %get3A_287 : vector<16xf32>
          %swap3A_289 = arith.constant 1 : i32
          %swap3A_290 = arith.index_cast %swap3A_289 : i32 to index
          %swap3A_291 = arith.index_cast %scan3A_244 : i32 to index
          %swap3A_292 = arith.index_cast %scan3A_251 : i32 to index
          %swap3A_293 = arith.constant 16 : index
          %swap3A_294 = tpu.vector_load %arg9[%swap3A_290, %swap3A_291, %swap3A_292, %swap3A_293] {strides = array<i32>} : memref<2x4x50x64xf32, #tpu.memory_space<vmem>>, vector<1x1x1x16xf32>,
          %swap3A_295 = vector.shape_cast %swap3A_294 : vector<1x1x1x16xf32> to vector<16xf32>
          %swap3A_296 = vector.shape_cast %add3A_288 : vector<16xf32> to vector<1x1x1x16xf32>
          tpu.vector_store %arg9[%swap3A_290, %swap3A_291, %swap3A_292, %swap3A_293], %swap3A_296 {strides = array<i32>} : memref<2x4x50x64xf32, #tpu.memory_space<vmem>>, vector<1x1x1x16xf32>,
          %get3A_297 = arith.constant 1 : i32
          %get3A_298 = arith.index_cast %get3A_297 : i32 to index
          %get3A_299 = arith.index_cast %add3A_254 : i32 to index
          %get3A_300 = arith.constant 32 : index
          %get3A_301 = tpu.vector_load %arg8[%get3A_298, %get3A_299, %get3A_300] {strides = array<i32>} : memref<2x200x128xf32, #tpu.memory_space<vmem>>, vector<1x1x16xf32>,
          %get3A_302 = vector.shape_cast %get3A_301 : vector<1x1x16xf32> to vector<16xf32>
          %mul3A_303 = arith.constant 8.000000e+00 : f32
          %mul3A_304 = vector.broadcast %mul3A_303 : f32 to vector<16xf32>
          %mul3A_305 = arith.mulf %get3A_302, %mul3A_304 : vector<16xf32>
          %get3A_306 = arith.index_cast %scan3A_251 : i32 to index
          %get3A_307 = arith.constant 32 : index
          %get3A_308 = tpu.vector_load %arg10[%get3A_306, %get3A_307] {strides = array<i32>} : memref<50x64xf32, #tpu.memory_space<vmem>>, vector<1x16xf32>,
          %get3A_309 = vector.shape_cast %get3A_308 : vector<1x16xf32> to vector<16xf32>
          %add3A_310 = arith.addf %mul3A_305, %get3A_309 : vector<16xf32>
          %swap3A_311 = arith.constant 1 : i32
          %swap3A_312 = arith.index_cast %swap3A_311 : i32 to index
          %swap3A_313 = arith.index_cast %scan3A_244 : i32 to index
          %swap3A_314 = arith.index_cast %scan3A_251 : i32 to index
          %swap3A_315 = arith.constant 32 : index
          %swap3A_316 = tpu.vector_load %arg9[%swap3A_312, %swap3A_313, %swap3A_314, %swap3A_315] {strides = array<i32>} : memref<2x4x50x64xf32, #tpu.memory_space<vmem>>, vector<1x1x1x16xf32>,
          %swap3A_317 = vector.shape_cast %swap3A_316 : vector<1x1x1x16xf32> to vector<16xf32>
          %swap3A_318 = vector.shape_cast %add3A_310 : vector<16xf32> to vector<1x1x1x16xf32>
          tpu.vector_store %arg9[%swap3A_312, %swap3A_313, %swap3A_314, %swap3A_315], %swap3A_318 {strides = array<i32>} : memref<2x4x50x64xf32, #tpu.memory_space<vmem>>, vector<1x1x1x16xf32>,
          %get3A_319 = arith.constant 1 : i32
          %get3A_320 = arith.index_cast %get3A_319 : i32 to index
          %get3A_321 = arith.index_cast %add3A_254 : i32 to index
          %get3A_322 = arith.constant 48 : index
          %get3A_323 = tpu.vector_load %arg8[%get3A_320, %get3A_321, %get3A_322] {strides = array<i32>} : memref<2x200x128xf32, #tpu.memory_space<vmem>>, vector<1x1x16xf32>,
          %get3A_324 = vector.shape_cast %get3A_323 : vector<1x1x16xf32> to vector<16xf32>
          %mul3A_325 = arith.constant 8.000000e+00 : f32
          %mul3A_326 = vector.broadcast %mul3A_325 : f32 to vector<16xf32>
          %mul3A_327 = arith.mulf %get3A_324, %mul3A_326 : vector<16xf32>
          %get3A_328 = arith.index_cast %scan3A_251 : i32 to index
          %get3A_329 = arith.constant 48 : index
          %get3A_330 = tpu.vector_load %arg10[%get3A_328, %get3A_329] {strides = array<i32>} : memref<50x64xf32, #tpu.memory_space<vmem>>, vector<1x16xf32>,
          %get3A_331 = vector.shape_cast %get3A_330 : vector<1x16xf32> to vector<16xf32>
          %add3A_332 = arith.addf %mul3A_327, %get3A_331 : vector<16xf32>
          %swap3A_333 = arith.constant 1 : i32
          %swap3A_334 = arith.index_cast %swap3A_333 : i32 to index
          %swap3A_335 = arith.index_cast %scan3A_244 : i32 to index
          %swap3A_336 = arith.index_cast %scan3A_251 : i32 to index
          %swap3A_337 = arith.constant 48 : index
          %swap3A_338 = tpu.vector_load %arg9[%swap3A_334, %swap3A_335, %swap3A_336, %swap3A_337] {strides = array<i32>} : memref<2x4x50x64xf32, #tpu.memory_space<vmem>>, vector<1x1x1x16xf32>,
          %swap3A_339 = vector.shape_cast %swap3A_338 : vector<1x1x1x16xf32> to vector<16xf32>
          %swap3A_340 = vector.shape_cast %add3A_332 : vector<16xf32> to vector<1x1x1x16xf32>
          tpu.vector_store %arg9[%swap3A_334, %swap3A_335, %swap3A_336, %swap3A_337], %swap3A_340 {strides = array<i32>} : memref<2x4x50x64xf32, #tpu.memory_space<vmem>>, vector<1x1x1x16xf32>,
        }
        %scan3A_250 = arith.constant 50 : i32
      }
      %scan3A_221 = arith.constant 4 : i32
      %mul3A_222 = arith.constant 128 : i32
      %mul3A_223 = arith.muli %add3A, %mul3A_222 : i32
      %add3A_224 = arith.addi %mul3A_223, %add3A_184 : i32
      %mul3A_225 = arith.constant 4 : i32
      %mul3A_226 = arith.muli %add3A_224, %mul3A_225 : i32
      %dma_start3A_227 = arith.constant 1 : i32
      %dma_start3A_228 = arith.constant 0 : i32
      %dma_start3A_229 = arith.constant 0 : i32
      %dma_start3A_230 = arith.constant 0 : i32
      %dma_start3A_231 = tpu.memref_slice %arg9[%dma_start3A_227, %dma_start3A_228, %dma_start3A_229, %dma_start3A_230] : memref<2x4x50x64xf32, #tpu.memory_space<vmem>> -> memref<1x4x50x64xf32, #tpu.memory_space<vmem>>
      %dma_start3A_232 = tpu.memref_squeeze %dma_start3A_231 : memref<1x4x50x64xf32, #tpu.memory_space<vmem>> -> memref<4x50x64xf32, #tpu.memory_space<vmem>>
      %dma_start3A_233 = arith.constant 0 : i32
      %dma_start3A_234 = arith.constant 0 : i32
      %dma_start3A_235 = tpu.memref_slice %arg5[%mul3A_226, %dma_start3A_233, %dma_start3A_234] : memref<16384x50x64xf32, #tpu.memory_space<hbm>> -> memref<4x50x64xf32, #tpu.memory_space<hbm>>
      %dma_start3A_236 = arith.constant 0 : i32
      %dma_start3A_237 = arith.constant 0 : i32
      %dma_start3A_238 = tpu.memref_slice %arg5[%mul3A_226, %dma_start3A_236, %dma_start3A_237] : memref<16384x50x64xf32, #tpu.memory_space<hbm>> -> memref<4x50x64xf32, #tpu.memory_space<hbm>>
      %dma_start3A_239 = arith.constant 0 : i32
      %dma_start3A_240 = arith.constant 0 : i32
      %dma_start3A_241 = arith.constant 0 : i32
      %dma_start3A_242 = tpu.memref_slice %arg9[%dma_start3A_227, %dma_start3A_239, %dma_start3A_240, %dma_start3A_241] : memref<2x4x50x64xf32, #tpu.memory_space<vmem>> -> memref<1x4x50x64xf32, #tpu.memory_space<vmem>>
      %dma_start3A_243 = tpu.memref_squeeze %dma_start3A_242 : memref<1x4x50x64xf32, #tpu.memory_space<vmem>> -> memref<4x50x64xf32, #tpu.memory_space<vmem>>
      tpu.enqueue_dma source(%dma_start3A_243 : memref<4x50x64xf32, #tpu.memory_space<vmem>>) target(%dma_start3A_238 : memref<4x50x64xf32, #tpu.memory_space<hbm>>) target_semaphore(%arg14 : memref<!tpu.dma_semaphore, #tpu.memory_space<semaphore_mem>>)
    }
    %scan3A_44 = arith.constant 64 : i32
    %mul3A_45 = arith.constant 128 : i32
    %mul3A_46 = arith.muli %add3A, %mul3A_45 : i32
    %add3A_47 = arith.constant 126 : i32
    %add3A_48 = arith.addi %mul3A_46, %add3A_47 : i32
    %mul3A_49 = arith.constant 4 : i32
    %mul3A_50 = arith.muli %add3A_48, %mul3A_49 : i32
    %dma_wait3A = arith.constant 0 : i32
    %dma_wait3A_51 = arith.constant 0 : i32
    %dma_wait3A_52 = arith.constant 0 : i32
    %dma_wait3A_53 = arith.constant 0 : i32
    %dma_wait3A_54 = tpu.memref_slice %arg9[%dma_wait3A, %dma_wait3A_51, %dma_wait3A_52, %dma_wait3A_53] : memref<2x4x50x64xf32, #tpu.memory_space<vmem>> -> memref<1x4x50x64xf32, #tpu.memory_space<vmem>>
    %dma_wait3A_55 = tpu.memref_squeeze %dma_wait3A_54 : memref<1x4x50x64xf32, #tpu.memory_space<vmem>> -> memref<4x50x64xf32, #tpu.memory_space<vmem>>
    %dma_wait3A_56 = arith.constant 0 : i32
    %dma_wait3A_57 = arith.constant 0 : i32
    %dma_wait3A_58 = tpu.memref_slice %arg5[%mul3A_50, %dma_wait3A_56, %dma_wait3A_57] : memref<16384x50x64xf32, #tpu.memory_space<hbm>> -> memref<4x50x64xf32, #tpu.memory_space<hbm>>
    %dma_wait3A_59 = arith.constant 0 : i32
    %dma_wait3A_60 = arith.constant 0 : i32
    %dma_wait3A_61 = tpu.memref_slice %arg5[%mul3A_50, %dma_wait3A_59, %dma_wait3A_60] : memref<16384x50x64xf32, #tpu.memory_space<hbm>> -> memref<4x50x64xf32, #tpu.memory_space<hbm>>
    %dma_wait3A_62 = arith.constant 0 : i32
    %dma_wait3A_63 = arith.constant 0 : i32
    %dma_wait3A_64 = arith.constant 0 : i32
    %dma_wait3A_65 = tpu.memref_slice %arg9[%dma_wait3A, %dma_wait3A_62, %dma_wait3A_63, %dma_wait3A_64] : memref<2x4x50x64xf32, #tpu.memory_space<vmem>> -> memref<1x4x50x64xf32, #tpu.memory_space<vmem>>
    %dma_wait3A_66 = tpu.memref_squeeze %dma_wait3A_65 : memref<1x4x50x64xf32, #tpu.memory_space<vmem>> -> memref<4x50x64xf32, #tpu.memory_space<vmem>>
    tpu.wait_dma2 semaphore(%arg13 : memref<!tpu.dma_semaphore, #tpu.memory_space<semaphore_mem>>) src(%dma_wait3A_66 : memref<4x50x64xf32, #tpu.memory_space<vmem>>) dst(%dma_wait3A_61 : memref<4x50x64xf32, #tpu.memory_space<hbm>>)
    %mul3A_67 = arith.constant 128 : i32
    %mul3A_68 = arith.muli %add3A, %mul3A_67 : i32
    %add3A_69 = arith.constant 127 : i32
    %add3A_70 = arith.addi %mul3A_68, %add3A_69 : i32
    %mul3A_71 = arith.constant 4 : i32
    %mul3A_72 = arith.muli %add3A_70, %mul3A_71 : i32
    %dma_wait3A_73 = arith.constant 1 : i32
    %dma_wait3A_74 = arith.constant 0 : i32
    %dma_wait3A_75 = arith.constant 0 : i32
    %dma_wait3A_76 = arith.constant 0 : i32
    %dma_wait3A_77 = tpu.memref_slice %arg9[%dma_wait3A_73, %dma_wait3A_74, %dma_wait3A_75, %dma_wait3A_76] : memref<2x4x50x64xf32, #tpu.memory_space<vmem>> -> memref<1x4x50x64xf32, #tpu.memory_space<vmem>>
    %dma_wait3A_78 = tpu.memref_squeeze %dma_wait3A_77 : memref<1x4x50x64xf32, #tpu.memory_space<vmem>> -> memref<4x50x64xf32, #tpu.memory_space<vmem>>
    %dma_wait3A_79 = arith.constant 0 : i32
    %dma_wait3A_80 = arith.constant 0 : i32
    %dma_wait3A_81 = tpu.memref_slice %arg5[%mul3A_72, %dma_wait3A_79, %dma_wait3A_80] : memref<16384x50x64xf32, #tpu.memory_space<hbm>> -> memref<4x50x64xf32, #tpu.memory_space<hbm>>
    %dma_wait3A_82 = arith.constant 0 : i32
    %dma_wait3A_83 = arith.constant 0 : i32
    %dma_wait3A_84 = tpu.memref_slice %arg5[%mul3A_72, %dma_wait3A_82, %dma_wait3A_83] : memref<16384x50x64xf32, #tpu.memory_space<hbm>> -> memref<4x50x64xf32, #tpu.memory_space<hbm>>
    %dma_wait3A_85 = arith.constant 0 : i32
    %dma_wait3A_86 = arith.constant 0 : i32
    %dma_wait3A_87 = arith.constant 0 : i32
    %dma_wait3A_88 = tpu.memref_slice %arg9[%dma_wait3A_73, %dma_wait3A_85, %dma_wait3A_86, %dma_wait3A_87] : memref<2x4x50x64xf32, #tpu.memory_space<vmem>> -> memref<1x4x50x64xf32, #tpu.memory_space<vmem>>
    %dma_wait3A_89 = tpu.memref_squeeze %dma_wait3A_88 : memref<1x4x50x64xf32, #tpu.memory_space<vmem>> -> memref<4x50x64xf32, #tpu.memory_space<vmem>>
    tpu.wait_dma2 semaphore(%arg14 : memref<!tpu.dma_semaphore, #tpu.memory_space<semaphore_mem>>) src(%dma_wait3A_89 : memref<4x50x64xf32, #tpu.memory_space<vmem>>) dst(%dma_wait3A_84 : memref<4x50x64xf32, #tpu.memory_space<hbm>>)
    return
  }
}

</mosaic_0001>

<sc_bundles>
// kernel: kernel.3.cloned.1.call-start
scs
__scs_entry_jumppad:
0x0: {  	(pc) =	sbr.rel $0x88, $3  }
0x1: {  	(tag) =	ssettag $0x0;
	lr =	simm.s32 $0x1  }
0x2: {  	[smem:$0x3F9F] =	sst lr;
	_ =	strace $0xD0000000  }
0x3: {  	_ = 	snop  }
0x4: {  	_ = 	snop  }
0x5: {  	_ = 	snop  }
0x6: {  	_ = 	snop  }
0x7: {  	_ = 	snop  }
__scs_overlays_trampoline_lowered:
0x8: {  	[smem:$0x3FAE] =	sst s0  }
0x9: {  	[smem:$0x3FAF] =	sst s1  }
0xa: {  	[smem:$0x3FB0] =	sst s2  }
0xb: {  	[smem:$0x3FB1] =	sst s3  }
0xc: {  	[smem:$0x3FB2] =	sst s4  }
0xd: {  	[smem:$0x3FB3] =	sst s5  }
0xe: {  	[smem:$0x3FB4] =	sst s6  }
0xf: {  	[smem:$0x3FB5] =	sst s7  }
0x10: {  	[smem:$0x3FB6] =	sst s8  }
0x11: {  	[smem:$0x3FB7] =	sst s9;
	s0 =	simm.s32 @!p0 $0x0  }
0x12: {  	s1 =	sld [smem:$0x3F9D];
	s0 =	simm.s32 @p0 $0x1  }
0x13: {  	[smem:$0x3FB8] =	sst s0;
	s0 =	simm.s32 @!p1 $0x0  }
0x14: {  	s2 =	sld [smem:$0x3F9C];
	s0 =	simm.s32 @p1 $0x1  }
0x15: {  	[smem:$0x3FB9] =	sst s0;
	s0 =	simm.s32 @!p2 $0x0  }
0x16: {  	s3 =	sld [smem:$0x3FDB];
	s0 =	simm.s32 @p2 $0x1  }
0x17: {  	s4 =	simm.s32 $0x1BF5;
	[smem:$0x3FBB] =	sst s0  }
0x18: {  	s0 =	sld [smem:$0x3F9E];
	_ =	swait.ge [sflag:s4], $0x0  }
0x19: {  	s7 =	sld [smem:$0x3F9F]  }
0x1a: {  	s8 =	sadd.s32 $0xFFFFE003, lr  }
0x1b: {  	s9 =	sadd.s32 $0xFFFFFEF7, lr;
	s5 =	simm.s32 $0xFFFFFFFF;
	p2 =	slt.u32 s8, $0xFFFFF086  }
0x1c: {  	p1 =	slt.u32 s9, $0xF7A;
	s5 =	simm.s32 @!p2 $0x0  }
0x1d: {  	s5 =	simm.s32 @p1 $0x1;
	p0 =	seq.s32 s7, s2  }
0x1e: {  	s7 =	smul.u32 @!p0 $0xF7A, s2;
	p2 =	seq.s32 @!p0 s5, $0x0  }
0x1f: {  	s9 =	smul.u32 $0xF7A, s1;
	s8 =	simm.s32 @!p0 $0x1BF5;
	p2 =	por !p2, p0  }
0x20: {  	[sflag:s8] =	ssyncset.s32 @!p0 $0xFFFFF086;
	s6 =	sadd.s32 @!p0 s3, s7;
	s7 =	simm.s32 @!p0 $0x108  }
0x21: {  	s3 =	sadd.s32 s3, s9;
	s6 =	sadd.s32 @!p0 $0x88, s6;
	s7 =	simm.s32 @p2 $0x1082  }
0x22: {  	[simem:s7], [sflag:s8] =	dma.local @!p0 [hbm:s6], $0xF7A  }
0x23: {  	s9 =	sor.u32 $0xD0000000, s2;
	s6 =	simm.s32 $0x108;
	_ =	swait.ge @!p0 [sflag:s8], $0x0  }
0x24: {  	s3 =	sadd.s32 $0x88, s3;
	s6 =	simm.s32 @!p1 $0x1082;
	[sflag:s4] =	ssyncset.s32 $0xFFFFF086  }
0x25: {  	[simem:s6], [sflag:s4] =	dma.local [hbm:s3], $0xF7A  }
0x26: {  	[smem:$0x3F9F] =	sst s1;
	(tag) =	ssettag s2;
	_ =	strace s9  }
0x27: {  	s1 =	sld [smem:$0x3FAF]  }
0x28: {  	s2 =	sld [smem:$0x3FB0]  }
0x29: {  	s4 =	sld [smem:$0x3FB2]  }
0x2a: {  	p0 =	seq.s32 s5, $0x0;
	s5 =	sld [smem:$0x3FB3]  }
0x2b: {  	s6 =	sld [smem:$0x3FB4]  }
0x2c: {  	s7 =	sld [smem:$0x3FB5]  }
0x2d: {  	s3 =	simm.s32 $0x108;
	s8 =	sld [smem:$0x3FB6]  }
0x2e: {  	s3 =	simm.s32 @!p0 $0x1082;
	s9 =	sld [smem:$0x3FB7]  }
0x2f: {  	lr =	sadd.s32 s0, s3;
	s0 =	sld [smem:$0x3FAE]  }
0x30: {  	s3 =	sld [smem:$0x3FB1]  }
0x31: {  	[smem:$0x3FBA] =	sst s10  }
0x32: {  	s10 =	sld [smem:$0x3FB8];
	_ =	sdelay $0x3  }
0x33: {  	p0 =	seq.s32 s10, $0x1;
	s10 =	sld [smem:$0x3FBA];
	_ =	sdelay $0x3  }
0x34: {  	[smem:$0x3FBA] =	sst s10  }
0x35: {  	s10 =	sld [smem:$0x3FB9];
	_ =	sdelay $0x3  }
0x36: {  	p1 =	seq.s32 s10, $0x1;
	s10 =	sld [smem:$0x3FBA];
	_ =	sdelay $0x3  }
0x37: {  	[smem:$0x3FBA] =	sst s10  }
0x38: {  	s10 =	sld [smem:$0x3FBB]  }
0x39: {  	_ = 	snop;
	(pc) =	sbr.ind lr, $3  }
0x3a: {  	_ = 	snop  }
0x3b: {  	_ = 	snop  }
0x3c: {  	p2 =	seq.s32 s10, $0x1;
	s10 =	sld [smem:$0x3FBA]  }
0x3d: {  	_ =	shalt  }
0x3e: {  	_ =	shalt  }
0x3f: {  	_ =	shalt  }
0x40: {  	_ =	shalt  }
0x41: {  	_ =	shalt  }
0x42: {  	_ =	shalt  }
0x43: {  	_ =	shalt  }
0x44: {  	_ =	shalt  }
0x45: {  	_ =	shalt  }
0x46: {  	_ =	shalt  }
0x47: {  	_ =	shalt  }
0x48: {  	_ =	shalt  }
0x49: {  	_ =	shalt  }
0x4a: {  	_ =	shalt  }
0x4b: {  	_ =	shalt  }
0x4c: {  	_ =	shalt  }
0x4d: {  	_ =	shalt  }
0x4e: {  	_ =	shalt  }
0x4f: {  	_ =	shalt  }
0x50: {  	_ =	shalt  }
0x51: {  	_ =	shalt  }
0x52: {  	_ =	shalt  }
0x53: {  	_ =	shalt  }
0x54: {  	_ =	shalt  }
0x55: {  	_ =	shalt  }
0x56: {  	_ =	shalt  }
0x57: {  	_ =	shalt  }
0x58: {  	_ =	shalt  }
0x59: {  	_ =	shalt  }
0x5a: {  	_ =	shalt  }
0x5b: {  	_ =	shalt  }
0x5c: {  	_ =	shalt  }
0x5d: {  	_ =	shalt  }
0x5e: {  	_ =	shalt  }
0x5f: {  	_ =	shalt  }
0x60: {  	_ =	shalt  }
0x61: {  	_ =	shalt  }
0x62: {  	_ =	shalt  }
0x63: {  	_ =	shalt  }
0x64: {  	_ =	shalt  }
0x65: {  	_ =	shalt  }
0x66: {  	_ =	shalt  }
0x67: {  	_ =	shalt  }
0x68: {  	_ =	shalt  }
0x69: {  	_ =	shalt  }
0x6a: {  	_ =	shalt  }
0x6b: {  	_ =	shalt  }
0x6c: {  	_ =	shalt  }
0x6d: {  	_ =	shalt  }
0x6e: {  	_ =	shalt  }
0x6f: {  	_ =	shalt  }
0x70: {  	_ =	shalt  }
0x71: {  	_ =	shalt  }
0x72: {  	_ =	shalt  }
0x73: {  	_ =	shalt  }
0x74: {  	_ =	shalt  }
0x75: {  	_ =	shalt  }
0x76: {  	_ =	shalt  }
0x77: {  	_ =	shalt  }
0x78: {  	_ =	shalt  }
0x79: {  	_ =	shalt  }
0x7a: {  	_ =	shalt  }
0x7b: {  	_ =	shalt  }
0x7c: {  	_ =	shalt  }
0x7d: {  	_ =	shalt  }
0x7e: {  	_ =	shalt  }
0x7f: {  	_ =	shalt  }
0x80: {  	_ =	shalt  }
0x81: {  	_ =	shalt  }
0x82: {  	_ =	shalt  }
0x83: {  	_ =	shalt  }
0x84: {  	_ =	shalt  }
0x85: {  	_ =	shalt  }
0x86: {  	_ =	shalt  }
0x87: {  	_ =	shalt  }
.Lfunc_end0:
.L_simem_size_0:
called_computation.1_lowered:
.L_overlay_start_0:
0x88: {  	s2 =	sld [smem:$0x3FD9]  }
0x89: {  	s3 =	sld [smem:$0x3FFE];
	_ =	sdelay $0x1  }
0x8a: {  	s1 =	srdreg.scid  }
0x8b: {  	s0 =	sand.u32 $0x1, s1  }
0x8c: {  	s17 =	sshll.u32 s0, $0xA;
	s2 =	sadd.s32 s3, s2  }
0x8d: {  	s2 =	sadd.s32 s2, s17  }
0x8e: {  	[smem:$0x3FC6] =	sst s2  }
0x8f: {  	_ = 	snop  }
0x90: {  	s2 =	sld [smem:$0x3FD0];
	(tm) =	ssettm $0x1  }
0x91: {  	s18 =	sld [smem:$0x3FFB];
	_ =	sdelay $0x3  }
0x92: {  	_ =	strace s18  }
0x93: {  	s3 =	sld [smem:$0x3FFC];
	_ =	sdelay $0x3  }
0x94: {  	_ =	strace s3  }
0x95: {  	s3 =	sld [smem:$0x3FFD];
	_ =	sdelay $0x3  }
0x96: {  	_ =	strace s3  }
0x97: {  	_ =	strace $0x8FFFFFFF  }
0x98: {  	s19 =	sld [smem:$0x3FDB];
	_ =	sdelay $0x1  }
0x99: {  	s4 =	simm.s32 $_scs_section_size  }
0x9a: {  	s5 =	simm.s32 $_size__tile_overlayer_lowered;
	s6 =	simm.s32 $_tile_overlayer_lowered  }
0x9b: {  	s22 =	simm.s32 $0x1BFF;
	s21 =	sshll.u32 s6, $0x1;
	s3 =	sadd.s32 s4, s19  }
0x9c: {  	s7 =	simm.s32 $0x0;
	s20 =	sshll.u32 s5, $0x1;
	s5 =	sadd.s32 s21, s3  }
0x9d: {  	[timem:s7], [sflag:s22] =	dma.local [hbm:s5], s20  }
0x9e: {  	_ =	swait.ge [sflag:s22], s20  }
0x9f: {  	s4 =	ssub.s32 $0x0, s20;
	[sflag:s22] =	ssyncset.done $0x0  }
0xa0: {  	[sflag:s22] =	ssyncadd.s32 s4;
	_ =	sdelay $0x1  }
0xa1: {  	s23 =	simm.s32 $0x1B8B  }
0xa2: {  	_ =	swait.ge [sflag:s23], $0x1  }
0xa3: {  	[sflag:s23] =	ssyncset.done $0x0  }
0xa4: {  	s25 =	simm.s32 $0x1B8E;
	s24 =	sld [smem:$0x3FFE];
	[sflag:s23] =	ssyncadd.s32 $0xFFFFFFFF  }
0xa5: {  	s26 =	simm.s32 $execute0_lowered;
	[smem:$0x3FD2] =	sst s25  }
0xa6: {  	s5 =	sshll.u32 s26, $0x1;
	_ =	strace $0x80000046;
	[dreg:$0x1] =	wrdreg $0xFFFFFFFF  }
0xa7: {  	s28 =	simm.s32 $_size_execute0_lowered;
	s3 =	sadd.s32 s3, s5;
	[dreg:$0x0] =	wrdreg $0x0  }
0xa8: {  	s5 =	sshll.u32 s28, $0x1;
	[dreg:$0x2] =	wrdreg s3  }
0xa9: {  	[dreg:$0x3] =	wrdreg s5  }
0xaa: {  	[dreg:$0x4] =	wrdreg $0xC0  }
0xab: {  	_ =	task [dreg:s7], $0x5FFFF  }
0xac: {  	[dreg:$0x1] =	wrdreg $0xFFFFFFFF  }
0xad: {  	[dreg:$0x0] =	wrdreg $0x60  }
0xae: {  	[dreg:$0x2] =	wrdreg s24  }
0xaf: {  	[dreg:$0x3] =	wrdreg s2  }
0xb0: {  	[dreg:$0x4] =	wrdreg $0x9  }
0xb1: {  	_ =	task.clear_ibuf [dreg:s7], $0x5FFFF;
	_ =	strace $0x90000046  }
0xb2: {  	s29 =	simm.s32 $0x9;
	_ =	strace $0x80000048  }
0xb3: {  	_ =	swait.ge [sflag:s29], $0x1  }
0xb4: {  	[sflag:s29] =	ssyncadd.s32 $0xFFFFFFFF  }
0xb5: {  	_ =	strace $0x90000048  }
0xb6: {  	_ =	sfence  }
0xb7: {  	s30 =	sld [smem:$0x0];
	_ =	sdelay $0x2  }
0xb8: {  	s31 =	sshll.u32 s1, $0xD;
	s1 =	sshrl.u32 s1, $0x2  }
0xb9: {  	s3 =	sand.u32 $0x4000, s31;
	s1 =	sadd.s32 s1, s30  }
0xba: {  	s0 =	sor.u32 s3, s0;
	s1 =	sshll.u32 s1, $0x11  }
0xbb: {  	s0 =	sor.u32 s1, s0  }
0xbc: {  	s0 =	sadd.s32 $0x8F2B, s0  }
0xbd: {  	[sflag:s0] =	ssyncadd.remote.s32 $0x1  }
0xbe: {  	_ =	sfence.sel $0xFFFF  }
0xbf: {  	[dreg:$0x0] =	wrdreg $0xFFFFFFFF;
	(pc) =	sbr.abs _section_cstart, $3  }
0xc0: {  	[dreg:$0x1] =	wrdreg $0xFFFFFFFF  }
0xc1: {  	_ =	task.clear_ibuf [dreg:s7], $0x2FFFF;
	_ =	strace $0x9FFFFFFF  }
0xc2: {  	(tm) =	ssettm $0x7FFFFFFF  }
0xc3: {  	_ =	shalt  }
tec
execute0_lowered:
.L_overlay_start_1:
0x0: {  	(tag) =	ssettag $0x1  }
0x1: {  	s0 =	rddreg [dreg:$0x0]  }
0x2: {  	s2 =	rddreg [dreg:$0x1];
	s1 =	srdreg.scid  }
0x3: {  	s4 =	stileid.u32;
	s3 =	simm.s32 $0x0;
	s11 =	simm.s32 $0x5  }
0x4: {  	s12 =	simm.s32 $0x68;
	s14 =	simm.s32 $0x9600;
	s15 =	simm.s32 $0x60  }
0x5: {  	s16 =	simm.s32 $0x3268;
	s17 =	simm.s32 $0xCA00;
	s18 =	simm.s32 $0xFA00  }
0x6: {  	s19 =	simm.s32 $0x12E00;
	s20 =	simm.s32 $0x1;
	s21 =	simm.s32 $0x15E00  }
0x7: {  	s22 =	simm.s32 $0x2;
	s23 =	simm.s32 $0x19000;
	s24 =	simm.s32 $0x3  }
0x8: {  	s25 =	simm.s32 $0x4;
	s1 =	sand.u32 $0x1, s1;
	s4 =	sshll.u32 s4, $0x1  }
0x9: {  	s26 =	simm.s32 $0x0;
	[smem:$0x7FF] =	sst s3;
	s8 =	sor.u32 s1, s4  }
0xa: {  	s6 =	sadd.s32 $0xF43000, s0;
	s1 =	ssub.s32 $0x2, s1;
	s5 =	smul.u32 $0x6400, s8  }
0xb: {  	_ =	strace $0x80000047;
	s4 =	sadd.s32 $0xF5C000, s0;
	s7 =	sshrl.u32 s1, $0x1  }
0xc: {  	s9 =	smul.u32 $0xC80, s8;
	s8 =	sshll.u32 s8, $0x7;
	s10 =	sshrl.u32 s5, $0x3  }
0xd: {  	s30 =	ssub.s32 s1, s7;
	s5 =	sadd.s32 $0xF5C200, s0;
	s31 =	sadd.s32 s6, s10  }
0xe: {  	s6 =	sadd.s32 s6, s9;
	s9 =	smax.u32 s30, $0x1;
	s7 =	sadd.s32 $0x640, s31  }
.LBB2_1:
0xf: {  	s0 =	simm.s32 $0x1C200  }
0x10: {  	[tilespmem:s0], [sflag:$0x5] =	stream.linear.gather [hbm4b:s4+s3], $0xC80, $0x38;
	[tilespmem:$0x1CE80] =	vst v63  }
0x11: {  	_ =	swait.ge [sflag:s11], $0xC80  }
0x12: {  	[sflag:s11] =	ssyncset.done $0x0  }
0x13: {  	[sflag:s11] =	ssyncadd.s32 $0xFFFFF380  }
0x14: {  	[tilespmem:s3], [sflag:$0x5] =	stream.linear.gather [hbm4b:s6+s3], $0x3200, $0x38;
	[tilespmem:$0x1CE80] =	vst v63  }
0x15: {  	_ =	swait.ge [sflag:s11], $0x3200  }
0x16: {  	[sflag:s11] =	ssyncset.done $0x0  }
0x17: {  	s0 =	simm.s32 $0x0;
	[sflag:s11] =	ssyncadd.s32 $0xFFFFCE00  }
0x18: {  	v3 =	vld [tilespmem:s0+$0x70]  }
0x19: {  	v4 =	vld [tilespmem:s0+$0x0]  }
0x1a: {  	v5 =	vld [tilespmem:s0+$0x10]  }
0x1b: {  	v2 =	vld [tilespmem:s0+$0x20]  }
0x1c: {  	v0 =	vld [tilespmem:s0+$0x30]  }
0x1d: {  	v1 =	vld [tilespmem:s0+$0x40];
	[tilespmem:s0+$0x3270] =	vst v3  }
0x1e: {  	[tilespmem:s0+$0x3200] =	vst v4;
	v3 =	vld [tilespmem:s0+$0x50]  }
0x1f: {  	s1 =	simm.s32 $0x80;
	s10 =	simm.s32 $0x400;
	[tilespmem:s0+$0x3210] =	vst v5;
	v4 =	vld [tilespmem:s0+$0x60]  }
.LBB2_2:
0x20: {  	p0 =	sne.s32 s10, $0xC600;
	v5 =	vld [tilespmem:s1+$0x70];
	[tilespmem:s0+$0x3220] =	vst v2  }
0x21: {  	v6 =	vld [tilespmem:s1+$0x0];
	[tilespmem:s0+$0x3230] =	vst v0  }
0x22: {  	v7 =	vld [tilespmem:s1+$0x10];
	[tilespmem:s0+$0x3240] =	vst v1  }
.Ltmp0:
0x23: {  	v2 =	vld [tilespmem:s1+$0x20];
	[tilespmem:s0+$0x3250] =	vst v3;
	(pc) =	sbr.rel @p0 .LBB2_2-.Ltmp0, $4  }
0x24: {  	v0 =	vld [tilespmem:s1+$0x30];
	[tilespmem:s0+$0x3260] =	vst v4;
	s0 =	smov.u32 s1  }
0x25: {  	v1 =	vld [tilespmem:s0+$0x40];
	[tilespmem:s0+$0x3270] =	vst v5  }
0x26: {  	[tilespmem:s0+$0x3200] =	vst v6;
	v3 =	vld [tilespmem:s0+$0x50]  }
0x27: {  	s1 =	sshra.s32 s10, $0x2;
	s10 =	sadd.s32 $0x200, s10;
	[tilespmem:s0+$0x3210] =	vst v7;
	v4 =	vld [tilespmem:s0+$0x60]  }
0x28: {  	v5 =	vld [tilespmem:s1+$0x70];
	[tilespmem:s0+$0x3220] =	vst v2  }
0x29: {  	v2 =	vld [tilespmem:s1+$0x0];
	[tilespmem:s0+$0x3230] =	vst v0  }
0x2a: {  	v0 =	vld [tilespmem:s1+$0x10];
	[tilespmem:s0+$0x3240] =	vst v1  }
0x2b: {  	v1 =	vld [tilespmem:s1+$0x20];
	[tilespmem:s0+$0x3250] =	vst v3  }
0x2c: {  	v3 =	vld [tilespmem:s1+$0x30];
	[tilespmem:s0+$0x3260] =	vst v4  }
0x2d: {  	v4 =	vld [tilespmem:s1+$0x40];
	[tilespmem:s1+$0x3270] =	vst v5  }
0x2e: {  	[tilespmem:s1+$0x3200] =	vst v2;
	v2 =	vld [tilespmem:s1+$0x50]  }
0x2f: {  	[tilespmem:s1+$0x3210] =	vst v0;
	v0 =	vld [tilespmem:s1+$0x60]  }
0x30: {  	[tilespmem:s1+$0x3220] =	vst v1  }
0x31: {  	[tilespmem:s1+$0x3230] =	vst v3  }
0x32: {  	[tilespmem:s1+$0x3240] =	vst v4  }
0x33: {  	[tilespmem:s1+$0x3250] =	vst v2  }
0x34: {  	s31 =	simm.s32 $0x0;
	[tilespmem:s1+$0x3260] =	vst v0  }
0x35: {  	[tilespmem:s31], [sflag:$0x5] =	stream.linear.gather [hbm4b:s7+s31], $0x3200, $0x38;
	[tilespmem:$0x1CE80] =	vst v63  }
0x36: {  	_ =	swait.ge [sflag:s11], $0x3200  }
0x37: {  	[sflag:s11] =	ssyncset.done $0x0  }
0x38: {  	s0 =	simm.s32 $0x0;
	[sflag:s11] =	ssyncadd.s32 $0xFFFFCE00  }
0x39: {  	v3 =	vld [tilespmem:s0+$0x70]  }
0x3a: {  	v4 =	vld [tilespmem:s0+$0x0]  }
0x3b: {  	v5 =	vld [tilespmem:s0+$0x10]  }
0x3c: {  	v2 =	vld [tilespmem:s0+$0x20]  }
0x3d: {  	v0 =	vld [tilespmem:s0+$0x30]  }
0x3e: {  	v1 =	vld [tilespmem:s0+$0x40];
	[tilespmem:s0+$0x6470] =	vst v3  }
0x3f: {  	[tilespmem:s0+$0x6400] =	vst v4;
	v3 =	vld [tilespmem:s0+$0x50]  }
0x40: {  	s10 =	simm.s32 $0x400;
	s1 =	simm.s32 $0x80;
	[tilespmem:s0+$0x6410] =	vst v5;
	v4 =	vld [tilespmem:s0+$0x60]  }
.LBB2_4:
0x41: {  	p0 =	sne.s32 s10, $0xC600;
	v5 =	vld [tilespmem:s1+$0x70];
	[tilespmem:s0+$0x6420] =	vst v2  }
0x42: {  	v6 =	vld [tilespmem:s1+$0x0];
	[tilespmem:s0+$0x6430] =	vst v0  }
0x43: {  	v7 =	vld [tilespmem:s1+$0x10];
	[tilespmem:s0+$0x6440] =	vst v1  }
.Ltmp1:
0x44: {  	v2 =	vld [tilespmem:s1+$0x20];
	[tilespmem:s0+$0x6450] =	vst v3;
	(pc) =	sbr.rel @p0 .LBB2_4-.Ltmp1, $4  }
0x45: {  	v0 =	vld [tilespmem:s1+$0x30];
	[tilespmem:s0+$0x6460] =	vst v4;
	s0 =	smov.u32 s1  }
0x46: {  	v1 =	vld [tilespmem:s0+$0x40];
	[tilespmem:s0+$0x6470] =	vst v5  }
0x47: {  	[tilespmem:s0+$0x6400] =	vst v6;
	v3 =	vld [tilespmem:s0+$0x50]  }
0x48: {  	s1 =	sshra.s32 s10, $0x2;
	s10 =	sadd.s32 $0x200, s10;
	[tilespmem:s0+$0x6410] =	vst v7;
	v4 =	vld [tilespmem:s0+$0x60]  }
0x49: {  	v5 =	vld [tilespmem:s1+$0x70];
	[tilespmem:s0+$0x6420] =	vst v2  }
0x4a: {  	v2 =	vld [tilespmem:s1+$0x0];
	[tilespmem:s0+$0x6430] =	vst v0  }
0x4b: {  	v0 =	vld [tilespmem:s1+$0x10];
	[tilespmem:s0+$0x6440] =	vst v1  }
0x4c: {  	v1 =	vld [tilespmem:s1+$0x20];
	[tilespmem:s0+$0x6450] =	vst v3  }
0x4d: {  	v3 =	vld [tilespmem:s1+$0x30];
	[tilespmem:s0+$0x6460] =	vst v4  }
0x4e: {  	v4 =	vld [tilespmem:s1+$0x40];
	[tilespmem:s1+$0x6470] =	vst v5  }
0x4f: {  	v62 =	vld [tilespmem:s1+$0x50];
	[tilespmem:s1+$0x6400] =	vst v2  }
0x50: {  	v63 =	vld [tilespmem:s1+$0x60];
	[tilespmem:s1+$0x6410] =	vst v0  }
0x51: {  	[tilespmem:s1+$0x6420] =	vst v1  }
0x52: {  	[tilespmem:s1+$0x6430] =	vst v3  }
0x53: {  	[tilespmem:s1+$0x6440] =	vst v4  }
0x54: {  	[tilespmem:s1+$0x6450] =	vst v62  }
0x55: {  	s31 =	simm.s32 $0x3200;
	[tilespmem:s1+$0x6460] =	vst v63  }
0x56: {  	[tilespmem:s14], [sflag:$0x1] =	stream.indirect.gather [hbm4b:s5+s12], $0x80, s31, s12, $0xb8;
	[tilespmem:$0x1CE80] =	vst v63  }
0x57: {  	s28 =	simm.s32 $0x0  }
0x58: {  	[tilespmem:s17], [sflag:$0x1] =	stream.indirect.gather [hbm4b:s5+s15], $0x80, s16, s15, $0xb8;
	[tilespmem:$0x1CE80] =	vst v63  }
.LBB2_6:
0x59: {  	s29 =	sshllo.u32 s28, $0x1  }
0x5a: {  	s0 =	smul.u32 $0x320, s29;
	_ =	sdelay $0x1  }
0x5b: {  	s0 =	sshra.s32 s0, $0x2  }
0x5c: {  	s1 =	sadd.s32 $0x3200, s0  }
0x5d: {  	[tilespmem:s18], [sflag:$0x2] =	stream.indirect.gather [hbm4b:s5+s12], $0x80, s1, s12, $0xb8;
	[tilespmem:$0x1CE80] =	vst v63  }
0x5e: {  	s0 =	sadd.s32 $0x3268, s0  }
0x5f: {  	[tilespmem:s19], [sflag:$0x2] =	stream.indirect.gather [hbm4b:s5+s15], $0x80, s0, s15, $0xb8;
	[tilespmem:$0x1CE80] =	vst v63  }
0x60: {  	_ =	swait.ge [sflag:s20], $0x3400  }
0x61: {  	[sflag:s20] =	ssyncset.done $0x0  }
0x62: {  	[sflag:s20] =	ssyncadd.s32 $0xFFFFCC00  }
0x63: {  	_ =	swait.ge [sflag:s20], $0x3000  }
0x64: {  	p0 =	seq.s32 s28, $0x0;
	[sflag:s20] =	ssyncset.done $0x0  }
0x65: {  	s0 =	simm.s32 @!p0 $0x3;
	[sflag:s20] =	ssyncadd.s32 $0xFFFFD000  }
0x66: {  	_ =	swait.ge @!p0 [sflag:s0], $0x3200  }
0x67: {  	[sflag:s0] =	ssyncset.done @!p0 $0x0  }
0x68: {  	[sflag:s0] =	ssyncadd.s32 @!p0 $0xFFFFCE00;
	s0 =	simm.s32 $0x9620  }
0x69: {  	s30 =	sshll.u32 s28, $0x1;
	s10 =	simm.s32 $0x0;
	s1 =	simm.s32 $0x100;
	v0 =	vld [tilespmem:s0+$0xFFFFFFE0]  }
.LBB2_7:
0x6a: {  	p1 =	sne.s32 s1, $0x3100;
	s13 =	sshra.s32 s10, $0x2;
	s10 =	smov.u32 s1  }
0x6b: {  	v1 =	vld [tilespmem:s13+$0x1C200];
	_ =	sdelay $0x2  }
0x6c: {  	v0 =	vmul.f32 $8.000000000e+00, v0;
	_ =	sdelay $0x1  }
0x6d: {  	v0 =	vadd.f32 v1, v0;
	_ =	sdelay $0x1  }
0x6e: {  	[tilespmem:s13+$0x15E00] =	vst v0  }
0x6f: {  	v0 =	vld [tilespmem:s0+$0xFFFFFFF0];
	_ =	sdelay $0x1  }
0x70: {  	v1 =	vld [tilespmem:s13+$0x1C210];
	_ =	sdelay $0x2  }
0x71: {  	v0 =	vmul.f32 $8.000000000e+00, v0;
	_ =	sdelay $0x1  }
0x72: {  	v0 =	vadd.f32 v1, v0;
	_ =	sdelay $0x1  }
0x73: {  	[tilespmem:s13+$0x15E10] =	vst v0  }
0x74: {  	v0 =	vld [tilespmem:s0+$0x0];
	_ =	sdelay $0x1  }
0x75: {  	v1 =	vld [tilespmem:s13+$0x1C220];
	_ =	sdelay $0x2  }
0x76: {  	v0 =	vmul.f32 $8.000000000e+00, v0;
	_ =	sdelay $0x1  }
0x77: {  	v0 =	vadd.f32 v1, v0;
	_ =	sdelay $0x1  }
0x78: {  	[tilespmem:s13+$0x15E20] =	vst v0  }
0x79: {  	v0 =	vld [tilespmem:s0+$0x10];
	_ =	sdelay $0x1  }
0x7a: {  	v1 =	vld [tilespmem:s13+$0x1C230];
	_ =	sdelay $0x2  }
0x7b: {  	v0 =	vmul.f32 $8.000000000e+00, v0  }
.Ltmp2:
0x7c: {  	(pc) =	sbr.rel @p1 .LBB2_7-.Ltmp2, $3  }
0x7d: {  	v0 =	vadd.f32 v1, v0;
	_ =	sdelay $0x1  }
0x7e: {  	s0 =	sadd.s32 $0x80, s0;
	[tilespmem:s13+$0x15E30] =	vst v0  }
0x7f: {  	s1 =	sadd.s32 $0x100, s1;
	v0 =	vld [tilespmem:s0+$0xFFFFFFE0]  }
0x80: {  	s1 =	sshra.s32 s10, $0x2  }
0x81: {  	v1 =	vld [tilespmem:s1+$0x1C200];
	_ =	sdelay $0x2  }
0x82: {  	v0 =	vmul.f32 $8.000000000e+00, v0;
	_ =	sdelay $0x1  }
0x83: {  	v0 =	vadd.f32 v1, v0;
	_ =	sdelay $0x1  }
0x84: {  	[tilespmem:s1+$0x15E00] =	vst v0  }
0x85: {  	v0 =	vld [tilespmem:s0+$0xFFFFFFF0];
	_ =	sdelay $0x1  }
0x86: {  	v1 =	vld [tilespmem:s1+$0x1C210];
	_ =	sdelay $0x2  }
0x87: {  	v0 =	vmul.f32 $8.000000000e+00, v0;
	_ =	sdelay $0x1  }
0x88: {  	v0 =	vadd.f32 v1, v0;
	_ =	sdelay $0x1  }
0x89: {  	[tilespmem:s1+$0x15E10] =	vst v0  }
0x8a: {  	v0 =	vld [tilespmem:s0+$0x0];
	_ =	sdelay $0x1  }
0x8b: {  	v1 =	vld [tilespmem:s1+$0x1C220];
	_ =	sdelay $0x2  }
0x8c: {  	v0 =	vmul.f32 $8.000000000e+00, v0;
	_ =	sdelay $0x1  }
0x8d: {  	v0 =	vadd.f32 v1, v0;
	_ =	sdelay $0x1  }
0x8e: {  	[tilespmem:s1+$0x15E20] =	vst v0  }
0x8f: {  	v0 =	vld [tilespmem:s0+$0x10];
	_ =	sdelay $0x1  }
0x90: {  	v1 =	vld [tilespmem:s1+$0x1C230];
	_ =	sdelay $0x2  }
0x91: {  	v0 =	vmul.f32 $8.000000000e+00, v0;
	_ =	sdelay $0x1  }
0x92: {  	v0 =	vadd.f32 v1, v0;
	_ =	sdelay $0x1  }
0x93: {  	s0 =	simm.s32 $0xAF30;
	[tilespmem:s1+$0x15E30] =	vst v0  }
0x94: {  	s31 =	simm.s32 $0x0;
	s10 =	simm.s32 $0x0;
	s1 =	simm.s32 $0x100;
	v0 =	vld [tilespmem:s0+$0xFFFFFFD0]  }
.LBB2_9:
0x95: {  	p1 =	sne.s32 s1, $0x3100;
	s13 =	sshra.s32 s10, $0x2;
	s10 =	smov.u32 s1  }
0x96: {  	v1 =	vld [tilespmem:s13+$0x1C200];
	_ =	sdelay $0x2  }
0x97: {  	v0 =	vmul.f32 $8.000000000e+00, v0;
	_ =	sdelay $0x1  }
0x98: {  	v0 =	vadd.f32 v1, v0;
	_ =	sdelay $0x1  }
0x99: {  	[tilespmem:s13+$0x16A80] =	vst v0  }
0x9a: {  	v0 =	vld [tilespmem:s0+$0xFFFFFFE0];
	_ =	sdelay $0x1  }
0x9b: {  	v1 =	vld [tilespmem:s13+$0x1C210];
	_ =	sdelay $0x2  }
0x9c: {  	v0 =	vmul.f32 $8.000000000e+00, v0;
	_ =	sdelay $0x1  }
0x9d: {  	v0 =	vadd.f32 v1, v0;
	_ =	sdelay $0x1  }
0x9e: {  	[tilespmem:s13+$0x16A90] =	vst v0  }
0x9f: {  	v0 =	vld [tilespmem:s0+$0xFFFFFFF0];
	_ =	sdelay $0x1  }
0xa0: {  	v1 =	vld [tilespmem:s13+$0x1C220];
	_ =	sdelay $0x2  }
0xa1: {  	v0 =	vmul.f32 $8.000000000e+00, v0;
	_ =	sdelay $0x1  }
0xa2: {  	v0 =	vadd.f32 v1, v0;
	_ =	sdelay $0x1  }
0xa3: {  	[tilespmem:s13+$0x16AA0] =	vst v0  }
0xa4: {  	v0 =	vld [tilespmem:s0+$0x0];
	_ =	sdelay $0x1  }
0xa5: {  	v1 =	vld [tilespmem:s13+$0x1C230];
	_ =	sdelay $0x2  }
0xa6: {  	v0 =	vmul.f32 $8.000000000e+00, v0  }
.Ltmp3:
0xa7: {  	(pc) =	sbr.rel @p1 .LBB2_9-.Ltmp3, $3  }
0xa8: {  	v0 =	vadd.f32 v1, v0;
	_ =	sdelay $0x1  }
0xa9: {  	s0 =	sadd.s32 $0x80, s0;
	[tilespmem:s13+$0x16AB0] =	vst v0  }
0xaa: {  	s1 =	sadd.s32 $0x100, s1;
	v0 =	vld [tilespmem:s0+$0xFFFFFFD0]  }
0xab: {  	s1 =	sshra.s32 s10, $0x2  }
0xac: {  	v1 =	vld [tilespmem:s1+$0x1C200];
	_ =	sdelay $0x2  }
0xad: {  	v0 =	vmul.f32 $8.000000000e+00, v0;
	_ =	sdelay $0x1  }
0xae: {  	v0 =	vadd.f32 v1, v0;
	_ =	sdelay $0x1  }
0xaf: {  	[tilespmem:s1+$0x16A80] =	vst v0  }
0xb0: {  	v0 =	vld [tilespmem:s0+$0xFFFFFFE0];
	_ =	sdelay $0x1  }
0xb1: {  	v1 =	vld [tilespmem:s1+$0x1C210];
	_ =	sdelay $0x2  }
0xb2: {  	v0 =	vmul.f32 $8.000000000e+00, v0;
	_ =	sdelay $0x1  }
0xb3: {  	v0 =	vadd.f32 v1, v0;
	_ =	sdelay $0x1  }
0xb4: {  	[tilespmem:s1+$0x16A90] =	vst v0  }
0xb5: {  	v0 =	vld [tilespmem:s0+$0xFFFFFFF0];
	_ =	sdelay $0x1  }
0xb6: {  	v1 =	vld [tilespmem:s1+$0x1C220];
	_ =	sdelay $0x2  }
0xb7: {  	v0 =	vmul.f32 $8.000000000e+00, v0;
	_ =	sdelay $0x1  }
0xb8: {  	v0 =	vadd.f32 v1, v0;
	_ =	sdelay $0x1  }
0xb9: {  	[tilespmem:s1+$0x16AA0] =	vst v0  }
0xba: {  	v0 =	vld [tilespmem:s0+$0x0];
	_ =	sdelay $0x1  }
0xbb: {  	v1 =	vld [tilespmem:s1+$0x1C230];
	_ =	sdelay $0x2  }
0xbc: {  	v0 =	vmul.f32 $8.000000000e+00, v0;
	_ =	sdelay $0x1  }
0xbd: {  	v0 =	vadd.f32 v1, v0;
	_ =	sdelay $0x1  }
0xbe: {  	s0 =	simm.s32 $0xC830;
	[tilespmem:s1+$0x16AB0] =	vst v0  }
0xbf: {  	s1 =	simm.s32 $0x100;
	v0 =	vld [tilespmem:s0+$0xFFFFFFD0]  }
.LBB2_11:
0xc0: {  	p1 =	sne.s32 s1, $0x3100;
	s10 =	sshra.s32 s31, $0x2;
	s31 =	smov.u32 s1  }
0xc1: {  	v1 =	vld [tilespmem:s10+$0x1C200];
	_ =	sdelay $0x2  }
0xc2: {  	v0 =	vmul.f32 $8.000000000e+00, v0;
	_ =	sdelay $0x1  }
0xc3: {  	v0 =	vadd.f32 v1, v0;
	_ =	sdelay $0x1  }
0xc4: {  	[tilespmem:s10+$0x17700] =	vst v0  }
0xc5: {  	v0 =	vld [tilespmem:s0+$0xFFFFFFE0];
	_ =	sdelay $0x1  }
0xc6: {  	v1 =	vld [tilespmem:s10+$0x1C210];
	_ =	sdelay $0x2  }
0xc7: {  	v0 =	vmul.f32 $8.000000000e+00, v0;
	_ =	sdelay $0x1  }
0xc8: {  	v0 =	vadd.f32 v1, v0;
	_ =	sdelay $0x1  }
0xc9: {  	[tilespmem:s10+$0x17710] =	vst v0  }
0xca: {  	v0 =	vld [tilespmem:s0+$0xFFFFFFF0];
	_ =	sdelay $0x1  }
0xcb: {  	v1 =	vld [tilespmem:s10+$0x1C220];
	_ =	sdelay $0x2  }
0xcc: {  	v0 =	vmul.f32 $8.000000000e+00, v0;
	_ =	sdelay $0x1  }
0xcd: {  	v0 =	vadd.f32 v1, v0;
	_ =	sdelay $0x1  }
0xce: {  	[tilespmem:s10+$0x17720] =	vst v0  }
0xcf: {  	v0 =	vld [tilespmem:s0+$0x0];
	_ =	sdelay $0x1  }
0xd0: {  	v1 =	vld [tilespmem:s10+$0x1C230];
	_ =	sdelay $0x2  }
0xd1: {  	v0 =	vmul.f32 $8.000000000e+00, v0  }
.Ltmp4:
0xd2: {  	(pc) =	sbr.rel @p1 .LBB2_11-.Ltmp4, $3  }
0xd3: {  	v0 =	vadd.f32 v1, v0;
	_ =	sdelay $0x1  }
0xd4: {  	s0 =	sadd.s32 $0x80, s0;
	[tilespmem:s10+$0x17730] =	vst v0  }
0xd5: {  	s1 =	sadd.s32 $0x100, s1;
	v0 =	vld [tilespmem:s0+$0xFFFFFFD0]  }
0xd6: {  	s1 =	sshra.s32 s31, $0x2  }
0xd7: {  	v1 =	vld [tilespmem:s1+$0x1C200];
	_ =	sdelay $0x2  }
0xd8: {  	v0 =	vmul.f32 $8.000000000e+00, v0;
	_ =	sdelay $0x1  }
0xd9: {  	v0 =	vadd.f32 v1, v0;
	_ =	sdelay $0x1  }
0xda: {  	[tilespmem:s1+$0x17700] =	vst v0  }
0xdb: {  	v0 =	vld [tilespmem:s0+$0xFFFFFFE0];
	_ =	sdelay $0x1  }
0xdc: {  	v57 =	vld [tilespmem:s1+$0x1C210];
	_ =	sdelay $0x2  }
0xdd: {  	v0 =	vmul.f32 $8.000000000e+00, v0;
	_ =	sdelay $0x1  }
0xde: {  	v0 =	vadd.f32 v57, v0;
	_ =	sdelay $0x1  }
0xdf: {  	[tilespmem:s1+$0x17710] =	vst v0  }
0xe0: {  	v0 =	vld [tilespmem:s0+$0xFFFFFFF0];
	_ =	sdelay $0x1  }
0xe1: {  	v58 =	vld [tilespmem:s1+$0x1C220];
	_ =	sdelay $0x2  }
0xe2: {  	v0 =	vmul.f32 $8.000000000e+00, v0;
	_ =	sdelay $0x1  }
0xe3: {  	v0 =	vadd.f32 v58, v0;
	_ =	sdelay $0x1  }
0xe4: {  	[tilespmem:s1+$0x17720] =	vst v0  }
0xe5: {  	v0 =	vld [tilespmem:s0+$0x0];
	_ =	sdelay $0x1  }
0xe6: {  	v59 =	vld [tilespmem:s1+$0x1C230];
	_ =	sdelay $0x2  }
0xe7: {  	v0 =	vmul.f32 $8.000000000e+00, v0;
	_ =	sdelay $0x1  }
0xe8: {  	v0 =	vadd.f32 v59, v0;
	_ =	sdelay $0x1  }
0xe9: {  	s13 =	simm.s32 $0x0;
	[tilespmem:s1+$0x17730] =	vst v0  }
0xea: {  	v0 =	vld [tilespmem:s13+$0xE100]  }
0xeb: {  	s31 =	simm.s32 $0x1C220  }
0xec: {  	v60 =	vld [tilespmem:s31+$0xFFFFFFE0];
	_ =	sdelay $0x2  }
0xed: {  	v0 =	vmul.f32 $8.000000000e+00, v0;
	_ =	sdelay $0x1  }
0xee: {  	v0 =	vadd.f32 v60, v0  }
0xef: {  	s0 =	simm.s32 $0x183B0  }
0xf0: {  	[tilespmem:s0+$0xFFFFFFD0] =	vst v0  }
0xf1: {  	v0 =	vld [tilespmem:s13+$0xE110];
	_ =	sdelay $0x1  }
0xf2: {  	v61 =	vld [tilespmem:s31+$0xFFFFFFF0];
	_ =	sdelay $0x2  }
0xf3: {  	v0 =	vmul.f32 $8.000000000e+00, v0;
	_ =	sdelay $0x1  }
0xf4: {  	v0 =	vadd.f32 v61, v0;
	_ =	sdelay $0x1  }
0xf5: {  	[tilespmem:s0+$0xFFFFFFE0] =	vst v0  }
0xf6: {  	v0 =	vld [tilespmem:s13+$0xE120];
	_ =	sdelay $0x1  }
0xf7: {  	v62 =	vld [tilespmem:s31+$0x0];
	_ =	sdelay $0x2  }
0xf8: {  	v0 =	vmul.f32 $8.000000000e+00, v0;
	_ =	sdelay $0x1  }
0xf9: {  	v0 =	vadd.f32 v62, v0;
	_ =	sdelay $0x1  }
0xfa: {  	[tilespmem:s0+$0xFFFFFFF0] =	vst v0  }
0xfb: {  	v0 =	vld [tilespmem:s13+$0xE130];
	_ =	sdelay $0x1  }
0xfc: {  	v63 =	vld [tilespmem:s31+$0x10];
	_ =	sdelay $0x2  }
0xfd: {  	v0 =	vmul.f32 $8.000000000e+00, v0;
	_ =	sdelay $0x1  }
0xfe: {  	v0 =	vadd.f32 v63, v0;
	_ =	sdelay $0x1  }
0xff: {  	s10 =	simm.s32 $0x400;
	s1 =	simm.s32 $0x80;
	[tilespmem:s0+$0x0] =	vst v0  }
.LBB2_13:
0x100: {  	p1 =	sne.s32 s10, $0x6200;
	v0 =	vld [tilespmem:s1+$0xE100];
	s31 =	sadd.s32 $0x40, s31  }
0x101: {  	v1 =	vld [tilespmem:s31+$0xFFFFFFE0];
	_ =	sdelay $0x3  }
0x102: {  	v0 =	vmul.f32 $8.000000000e+00, v0;
	_ =	sdelay $0x1  }
0x103: {  	v0 =	vadd.f32 v1, v0  }
0x104: {  	s0 =	sadd.s32 $0x40, s0  }
0x105: {  	[tilespmem:s0+$0xFFFFFFD0] =	vst v0  }
0x106: {  	v0 =	vld [tilespmem:s1+$0xE110];
	_ =	sdelay $0x1  }
0x107: {  	v1 =	vld [tilespmem:s31+$0xFFFFFFF0];
	_ =	sdelay $0x2  }
0x108: {  	v0 =	vmul.f32 $8.000000000e+00, v0;
	_ =	sdelay $0x1  }
0x109: {  	v0 =	vadd.f32 v1, v0;
	_ =	sdelay $0x1  }
0x10a: {  	[tilespmem:s0+$0xFFFFFFE0] =	vst v0  }
0x10b: {  	v0 =	vld [tilespmem:s1+$0xE120];
	_ =	sdelay $0x1  }
0x10c: {  	v1 =	vld [tilespmem:s31+$0x0];
	_ =	sdelay $0x2  }
0x10d: {  	v0 =	vmul.f32 $8.000000000e+00, v0;
	_ =	sdelay $0x1  }
0x10e: {  	v0 =	vadd.f32 v1, v0;
	_ =	sdelay $0x1  }
0x10f: {  	[tilespmem:s0+$0xFFFFFFF0] =	vst v0  }
0x110: {  	v0 =	vld [tilespmem:s1+$0xE130]  }
0x111: {  	v1 =	vld [tilespmem:s31+$0x10];
	_ =	sdelay $0x3  }
.Ltmp5:
0x112: {  	v0 =	vmul.f32 $8.000000000e+00, v0;
	(pc) =	sbr.rel @p1 .LBB2_13-.Ltmp5, $3  }
0x113: {  	_ = 	snop  }
0x114: {  	v0 =	vadd.f32 v1, v0;
	_ =	sdelay $0x1  }
0x115: {  	s1 =	sshra.s32 s10, $0x2;
	s10 =	sadd.s32 $0x200, s10;
	[tilespmem:s0+$0x0] =	vst v0  }
0x116: {  	v0 =	vld [tilespmem:s1+$0xE100]  }
0x117: {  	s10 =	sadd.s32 $0x40, s31  }
0x118: {  	v1 =	vld [tilespmem:s10+$0xFFFFFFE0];
	_ =	sdelay $0x2  }
0x119: {  	v0 =	vmul.f32 $8.000000000e+00, v0;
	_ =	sdelay $0x1  }
0x11a: {  	v0 =	vadd.f32 v1, v0  }
0x11b: {  	s0 =	sadd.s32 $0x40, s0  }
0x11c: {  	[tilespmem:s0+$0xFFFFFFD0] =	vst v0  }
0x11d: {  	v0 =	vld [tilespmem:s1+$0xE110];
	_ =	sdelay $0x1  }
0x11e: {  	v56 =	vld [tilespmem:s10+$0xFFFFFFF0];
	_ =	sdelay $0x2  }
0x11f: {  	v0 =	vmul.f32 $8.000000000e+00, v0;
	_ =	sdelay $0x1  }
0x120: {  	v0 =	vadd.f32 v56, v0;
	_ =	sdelay $0x1  }
0x121: {  	[tilespmem:s0+$0xFFFFFFE0] =	vst v0  }
0x122: {  	v0 =	vld [tilespmem:s1+$0xE120];
	_ =	sdelay $0x1  }
0x123: {  	v57 =	vld [tilespmem:s10+$0x0];
	_ =	sdelay $0x2  }
0x124: {  	v0 =	vmul.f32 $8.000000000e+00, v0;
	_ =	sdelay $0x1  }
0x125: {  	v0 =	vadd.f32 v57, v0;
	_ =	sdelay $0x1  }
0x126: {  	[tilespmem:s0+$0xFFFFFFF0] =	vst v0  }
0x127: {  	v0 =	vld [tilespmem:s1+$0xE130];
	_ =	sdelay $0x1  }
0x128: {  	v58 =	vld [tilespmem:s10+$0x10];
	_ =	sdelay $0x1  }
0x129: {  	s10 =	sadd.s32 s8, s30  }
0x12a: {  	s1 =	smul.u32 $0x640, s10;
	v0 =	vmul.f32 $8.000000000e+00, v0  }
0x12b: {  	p1 =	seq.s32 s28, $0x3F  }
0x12c: {  	s13 =	sadd.s32 s2, s1;
	s1 =	smul.u32 @!p1 $0x640, s28;
	v0 =	vadd.f32 v58, v0;
	_ =	sdelay $0x1  }
0x12d: {  	[tilespmem:s0+$0x0] =	vst v0;
	s0 =	sshra.s32 @!p1 s1, $0x2  }
0x12e: {  	[hbm4b:s13+s3] =	stream.linear.scatter [tilespmem:s21], [sflag:$0x3], $0x3200, $0x38;
	[tilespmem:$0x1CE80] =	vst v63  }
0x12f: {  	s10 =	simm.s32 @!p1 $0x68;
	s1 =	sadd.s32 @!p1 $0x3390, s0;
	s13 =	simm.s32 @!p1 $0x9600  }
0x130: {  	[tilespmem:s13], [sflag:$0x1] =	stream.indirect.gather @!p1 [hbm4b:s5+s10], $0x80, s1, s10, $0xb8;
	[tilespmem:$0x1CE80] =	vst v63  }
0x131: {  	s0 =	sadd.s32 @!p1 $0x33F8, s0;
	s1 =	simm.s32 @!p1 $0x60;
	s10 =	simm.s32 @!p1 $0xCA00  }
0x132: {  	[tilespmem:s10], [sflag:$0x1] =	stream.indirect.gather @!p1 [hbm4b:s5+s1], $0x80, s0, s1, $0xb8;
	[tilespmem:$0x1CE80] =	vst v63  }
0x133: {  	_ =	swait.ge [sflag:s22], $0x3400  }
0x134: {  	[sflag:s22] =	ssyncset.done $0x0  }
0x135: {  	[sflag:s22] =	ssyncadd.s32 $0xFFFFCC00  }
0x136: {  	_ =	swait.ge [sflag:s22], $0x3000  }
0x137: {  	[sflag:s22] =	ssyncset.done $0x0  }
0x138: {  	s0 =	simm.s32 @!p0 $0x4;
	[sflag:s22] =	ssyncadd.s32 $0xFFFFD000  }
0x139: {  	_ =	swait.ge @!p0 [sflag:s0], $0x3200  }
0x13a: {  	[sflag:s0] =	ssyncset.done @!p0 $0x0  }
0x13b: {  	s31 =	simm.s32 $0x0;
	[sflag:s0] =	ssyncadd.s32 @!p0 $0xFFFFCE00  }
0x13c: {  	v59 =	vld [tilespmem:s31+$0xFA00]  }
0x13d: {  	s30 =	simm.s32 $0x1C220  }
0x13e: {  	v60 =	vld [tilespmem:s30+$0xFFFFFFE0];
	_ =	sdelay $0x2  }
0x13f: {  	v0 =	vmul.f32 $8.000000000e+00, v59;
	_ =	sdelay $0x1  }
0x140: {  	v0 =	vadd.f32 v60, v0  }
0x141: {  	s0 =	simm.s32 $0x19030  }
0x142: {  	[tilespmem:s0+$0xFFFFFFD0] =	vst v0  }
0x143: {  	v0 =	vld [tilespmem:s31+$0xFA10];
	_ =	sdelay $0x1  }
0x144: {  	v61 =	vld [tilespmem:s30+$0xFFFFFFF0];
	_ =	sdelay $0x2  }
0x145: {  	v0 =	vmul.f32 $8.000000000e+00, v0;
	_ =	sdelay $0x1  }
0x146: {  	v0 =	vadd.f32 v61, v0;
	_ =	sdelay $0x1  }
0x147: {  	[tilespmem:s0+$0xFFFFFFE0] =	vst v0  }
0x148: {  	v0 =	vld [tilespmem:s31+$0xFA20];
	_ =	sdelay $0x1  }
0x149: {  	v62 =	vld [tilespmem:s30+$0x0];
	_ =	sdelay $0x2  }
0x14a: {  	v0 =	vmul.f32 $8.000000000e+00, v0;
	_ =	sdelay $0x1  }
0x14b: {  	v0 =	vadd.f32 v62, v0;
	_ =	sdelay $0x1  }
0x14c: {  	[tilespmem:s0+$0xFFFFFFF0] =	vst v0  }
0x14d: {  	v0 =	vld [tilespmem:s31+$0xFA30];
	_ =	sdelay $0x1  }
0x14e: {  	v63 =	vld [tilespmem:s30+$0x10];
	_ =	sdelay $0x2  }
0x14f: {  	v0 =	vmul.f32 $8.000000000e+00, v0;
	_ =	sdelay $0x1  }
0x150: {  	v0 =	vadd.f32 v63, v0;
	_ =	sdelay $0x1  }
0x151: {  	s13 =	simm.s32 $0x400;
	s1 =	simm.s32 $0x80;
	s10 =	simm.s32 $0x1C220;
	[tilespmem:s0+$0x0] =	vst v0  }
.LBB2_15:
0x152: {  	p0 =	sne.s32 s13, $0x6200;
	v0 =	vld [tilespmem:s1+$0xFA00];
	s10 =	sadd.s32 $0x40, s10  }
0x153: {  	v1 =	vld [tilespmem:s10+$0xFFFFFFE0];
	_ =	sdelay $0x3  }
0x154: {  	v0 =	vmul.f32 $8.000000000e+00, v0;
	_ =	sdelay $0x1  }
0x155: {  	v0 =	vadd.f32 v1, v0  }
0x156: {  	s0 =	sadd.s32 $0x40, s0  }
0x157: {  	[tilespmem:s0+$0xFFFFFFD0] =	vst v0  }
0x158: {  	v0 =	vld [tilespmem:s1+$0xFA10];
	_ =	sdelay $0x1  }
0x159: {  	v1 =	vld [tilespmem:s10+$0xFFFFFFF0];
	_ =	sdelay $0x2  }
0x15a: {  	v0 =	vmul.f32 $8.000000000e+00, v0;
	_ =	sdelay $0x1  }
0x15b: {  	v0 =	vadd.f32 v1, v0;
	_ =	sdelay $0x1  }
0x15c: {  	[tilespmem:s0+$0xFFFFFFE0] =	vst v0  }
0x15d: {  	v0 =	vld [tilespmem:s1+$0xFA20];
	_ =	sdelay $0x1  }
0x15e: {  	v1 =	vld [tilespmem:s10+$0x0];
	_ =	sdelay $0x2  }
0x15f: {  	v0 =	vmul.f32 $8.000000000e+00, v0;
	_ =	sdelay $0x1  }
0x160: {  	v0 =	vadd.f32 v1, v0;
	_ =	sdelay $0x1  }
0x161: {  	[tilespmem:s0+$0xFFFFFFF0] =	vst v0  }
0x162: {  	v0 =	vld [tilespmem:s1+$0xFA30]  }
0x163: {  	v1 =	vld [tilespmem:s10+$0x10];
	_ =	sdelay $0x3  }
.Ltmp6:
0x164: {  	v0 =	vmul.f32 $8.000000000e+00, v0;
	(pc) =	sbr.rel @p0 .LBB2_15-.Ltmp6, $3  }
0x165: {  	_ = 	snop  }
0x166: {  	v0 =	vadd.f32 v1, v0;
	_ =	sdelay $0x1  }
0x167: {  	s1 =	sshra.s32 s13, $0x2;
	s13 =	sadd.s32 $0x200, s13;
	[tilespmem:s0+$0x0] =	vst v0  }
0x168: {  	v0 =	vld [tilespmem:s1+$0xFA00]  }
0x169: {  	s10 =	sadd.s32 $0x40, s10  }
0x16a: {  	v1 =	vld [tilespmem:s10+$0xFFFFFFE0];
	_ =	sdelay $0x2  }
0x16b: {  	v0 =	vmul.f32 $8.000000000e+00, v0;
	_ =	sdelay $0x1  }
0x16c: {  	v0 =	vadd.f32 v1, v0  }
0x16d: {  	s0 =	sadd.s32 $0x40, s0  }
0x16e: {  	[tilespmem:s0+$0xFFFFFFD0] =	vst v0  }
0x16f: {  	v0 =	vld [tilespmem:s1+$0xFA10];
	_ =	sdelay $0x1  }
0x170: {  	v57 =	vld [tilespmem:s10+$0xFFFFFFF0];
	_ =	sdelay $0x2  }
0x171: {  	v0 =	vmul.f32 $8.000000000e+00, v0;
	_ =	sdelay $0x1  }
0x172: {  	v0 =	vadd.f32 v57, v0;
	_ =	sdelay $0x1  }
0x173: {  	[tilespmem:s0+$0xFFFFFFE0] =	vst v0  }
0x174: {  	v0 =	vld [tilespmem:s1+$0xFA20];
	_ =	sdelay $0x1  }
0x175: {  	v58 =	vld [tilespmem:s10+$0x0];
	_ =	sdelay $0x2  }
0x176: {  	v0 =	vmul.f32 $8.000000000e+00, v0;
	_ =	sdelay $0x1  }
0x177: {  	v0 =	vadd.f32 v58, v0;
	_ =	sdelay $0x1  }
0x178: {  	[tilespmem:s0+$0xFFFFFFF0] =	vst v0  }
0x179: {  	v0 =	vld [tilespmem:s1+$0xFA30];
	_ =	sdelay $0x1  }
0x17a: {  	v59 =	vld [tilespmem:s10+$0x10];
	_ =	sdelay $0x2  }
0x17b: {  	v0 =	vmul.f32 $8.000000000e+00, v0;
	_ =	sdelay $0x1  }
0x17c: {  	v0 =	vadd.f32 v59, v0;
	_ =	sdelay $0x1  }
0x17d: {  	[tilespmem:s0+$0x0] =	vst v0  }
0x17e: {  	v0 =	vld [tilespmem:s31+$0x11300];
	_ =	sdelay $0x1  }
0x17f: {  	v60 =	vld [tilespmem:s30+$0xFFFFFFE0];
	_ =	sdelay $0x2  }
0x180: {  	v0 =	vmul.f32 $8.000000000e+00, v0;
	_ =	sdelay $0x1  }
0x181: {  	v0 =	vadd.f32 v60, v0  }
0x182: {  	s0 =	simm.s32 $0x19CB0  }
0x183: {  	[tilespmem:s0+$0xFFFFFFD0] =	vst v0  }
0x184: {  	v0 =	vld [tilespmem:s31+$0x11310];
	_ =	sdelay $0x1  }
0x185: {  	v61 =	vld [tilespmem:s30+$0xFFFFFFF0];
	_ =	sdelay $0x2  }
0x186: {  	v0 =	vmul.f32 $8.000000000e+00, v0;
	_ =	sdelay $0x1  }
0x187: {  	v0 =	vadd.f32 v61, v0;
	_ =	sdelay $0x1  }
0x188: {  	[tilespmem:s0+$0xFFFFFFE0] =	vst v0  }
0x189: {  	v0 =	vld [tilespmem:s31+$0x11320];
	_ =	sdelay $0x1  }
0x18a: {  	v62 =	vld [tilespmem:s30+$0x0];
	_ =	sdelay $0x2  }
0x18b: {  	v0 =	vmul.f32 $8.000000000e+00, v0;
	_ =	sdelay $0x1  }
0x18c: {  	v0 =	vadd.f32 v62, v0;
	_ =	sdelay $0x1  }
0x18d: {  	[tilespmem:s0+$0xFFFFFFF0] =	vst v0  }
0x18e: {  	v0 =	vld [tilespmem:s31+$0x11330];
	_ =	sdelay $0x1  }
0x18f: {  	v63 =	vld [tilespmem:s30+$0x10];
	_ =	sdelay $0x2  }
0x190: {  	v0 =	vmul.f32 $8.000000000e+00, v0;
	_ =	sdelay $0x1  }
0x191: {  	v0 =	vadd.f32 v63, v0;
	_ =	sdelay $0x1  }
0x192: {  	s1 =	simm.s32 $0x80;
	s10 =	simm.s32 $0x400;
	[tilespmem:s0+$0x0] =	vst v0  }
.LBB2_17:
0x193: {  	p0 =	sne.s32 s10, $0x6200;
	v0 =	vld [tilespmem:s1+$0x11300];
	s30 =	sadd.s32 $0x40, s30  }
0x194: {  	v1 =	vld [tilespmem:s30+$0xFFFFFFE0];
	_ =	sdelay $0x3  }
0x195: {  	v0 =	vmul.f32 $8.000000000e+00, v0;
	_ =	sdelay $0x1  }
0x196: {  	v0 =	vadd.f32 v1, v0  }
0x197: {  	s0 =	sadd.s32 $0x40, s0  }
0x198: {  	[tilespmem:s0+$0xFFFFFFD0] =	vst v0  }
0x199: {  	v0 =	vld [tilespmem:s1+$0x11310];
	_ =	sdelay $0x1  }
0x19a: {  	v1 =	vld [tilespmem:s30+$0xFFFFFFF0];
	_ =	sdelay $0x2  }
0x19b: {  	v0 =	vmul.f32 $8.000000000e+00, v0;
	_ =	sdelay $0x1  }
0x19c: {  	v0 =	vadd.f32 v1, v0;
	_ =	sdelay $0x1  }
0x19d: {  	[tilespmem:s0+$0xFFFFFFE0] =	vst v0  }
0x19e: {  	v0 =	vld [tilespmem:s1+$0x11320];
	_ =	sdelay $0x1  }
0x19f: {  	v1 =	vld [tilespmem:s30+$0x0];
	_ =	sdelay $0x2  }
0x1a0: {  	v0 =	vmul.f32 $8.000000000e+00, v0;
	_ =	sdelay $0x1  }
0x1a1: {  	v0 =	vadd.f32 v1, v0;
	_ =	sdelay $0x1  }
0x1a2: {  	[tilespmem:s0+$0xFFFFFFF0] =	vst v0  }
0x1a3: {  	v0 =	vld [tilespmem:s1+$0x11330]  }
0x1a4: {  	v1 =	vld [tilespmem:s30+$0x10];
	_ =	sdelay $0x3  }
.Ltmp7:
0x1a5: {  	v0 =	vmul.f32 $8.000000000e+00, v0;
	(pc) =	sbr.rel @p0 .LBB2_17-.Ltmp7, $3  }
0x1a6: {  	_ = 	snop  }
0x1a7: {  	v0 =	vadd.f32 v1, v0;
	_ =	sdelay $0x1  }
0x1a8: {  	s1 =	sshra.s32 s10, $0x2;
	s10 =	sadd.s32 $0x200, s10;
	[tilespmem:s0+$0x0] =	vst v0  }
0x1a9: {  	v0 =	vld [tilespmem:s1+$0x11300]  }
0x1aa: {  	s10 =	sadd.s32 $0x40, s30  }
0x1ab: {  	v1 =	vld [tilespmem:s10+$0xFFFFFFE0];
	_ =	sdelay $0x2  }
0x1ac: {  	v0 =	vmul.f32 $8.000000000e+00, v0;
	_ =	sdelay $0x1  }
0x1ad: {  	v0 =	vadd.f32 v1, v0  }
0x1ae: {  	s0 =	sadd.s32 $0x40, s0  }
0x1af: {  	[tilespmem:s0+$0xFFFFFFD0] =	vst v0  }
0x1b0: {  	v0 =	vld [tilespmem:s1+$0x11310];
	_ =	sdelay $0x1  }
0x1b1: {  	v1 =	vld [tilespmem:s10+$0xFFFFFFF0];
	_ =	sdelay $0x2  }
0x1b2: {  	v0 =	vmul.f32 $8.000000000e+00, v0;
	_ =	sdelay $0x1  }
0x1b3: {  	v0 =	vadd.f32 v1, v0;
	_ =	sdelay $0x1  }
0x1b4: {  	[tilespmem:s0+$0xFFFFFFE0] =	vst v0  }
0x1b5: {  	v0 =	vld [tilespmem:s1+$0x11320];
	_ =	sdelay $0x1  }
0x1b6: {  	v1 =	vld [tilespmem:s10+$0x0];
	_ =	sdelay $0x2  }
0x1b7: {  	v0 =	vmul.f32 $8.000000000e+00, v0;
	_ =	sdelay $0x1  }
0x1b8: {  	v0 =	vadd.f32 v1, v0;
	_ =	sdelay $0x1  }
0x1b9: {  	[tilespmem:s0+$0xFFFFFFF0] =	vst v0  }
0x1ba: {  	v0 =	vld [tilespmem:s1+$0x11330];
	_ =	sdelay $0x1  }
0x1bb: {  	v1 =	vld [tilespmem:s10+$0x10];
	_ =	sdelay $0x2  }
0x1bc: {  	v0 =	vmul.f32 $8.000000000e+00, v0;
	_ =	sdelay $0x1  }
0x1bd: {  	v0 =	vadd.f32 v1, v0;
	_ =	sdelay $0x1  }
0x1be: {  	[tilespmem:s0+$0x0] =	vst v0;
	s0 =	simm.s32 $0x12C30  }
0x1bf: {  	s30 =	simm.s32 $0x0;
	s1 =	simm.s32 $0x100;
	s10 =	simm.s32 $0x0;
	v0 =	vld [tilespmem:s0+$0xFFFFFFD0]  }
.LBB2_19:
0x1c0: {  	p0 =	sne.s32 s1, $0x3100;
	s13 =	sshra.s32 s10, $0x2;
	s10 =	smov.u32 s1  }
0x1c1: {  	v1 =	vld [tilespmem:s13+$0x1C200];
	_ =	sdelay $0x2  }
0x1c2: {  	v0 =	vmul.f32 $8.000000000e+00, v0;
	_ =	sdelay $0x1  }
0x1c3: {  	v0 =	vadd.f32 v1, v0;
	_ =	sdelay $0x1  }
0x1c4: {  	[tilespmem:s13+$0x1A900] =	vst v0  }
0x1c5: {  	v0 =	vld [tilespmem:s0+$0xFFFFFFE0];
	_ =	sdelay $0x1  }
0x1c6: {  	v1 =	vld [tilespmem:s13+$0x1C210];
	_ =	sdelay $0x2  }
0x1c7: {  	v0 =	vmul.f32 $8.000000000e+00, v0;
	_ =	sdelay $0x1  }
0x1c8: {  	v0 =	vadd.f32 v1, v0;
	_ =	sdelay $0x1  }
0x1c9: {  	[tilespmem:s13+$0x1A910] =	vst v0  }
0x1ca: {  	v0 =	vld [tilespmem:s0+$0xFFFFFFF0];
	_ =	sdelay $0x1  }
0x1cb: {  	v1 =	vld [tilespmem:s13+$0x1C220];
	_ =	sdelay $0x2  }
0x1cc: {  	v0 =	vmul.f32 $8.000000000e+00, v0;
	_ =	sdelay $0x1  }
0x1cd: {  	v0 =	vadd.f32 v1, v0;
	_ =	sdelay $0x1  }
0x1ce: {  	[tilespmem:s13+$0x1A920] =	vst v0  }
0x1cf: {  	v0 =	vld [tilespmem:s0+$0x0];
	_ =	sdelay $0x1  }
0x1d0: {  	v1 =	vld [tilespmem:s13+$0x1C230];
	_ =	sdelay $0x2  }
0x1d1: {  	v0 =	vmul.f32 $8.000000000e+00, v0  }
.Ltmp8:
0x1d2: {  	(pc) =	sbr.rel @p0 .LBB2_19-.Ltmp8, $3  }
0x1d3: {  	v0 =	vadd.f32 v1, v0;
	_ =	sdelay $0x1  }
0x1d4: {  	s0 =	sadd.s32 $0x80, s0;
	[tilespmem:s13+$0x1A930] =	vst v0  }
0x1d5: {  	s1 =	sadd.s32 $0x100, s1;
	v0 =	vld [tilespmem:s0+$0xFFFFFFD0]  }
0x1d6: {  	s1 =	sshra.s32 s10, $0x2  }
0x1d7: {  	v1 =	vld [tilespmem:s1+$0x1C200];
	_ =	sdelay $0x2  }
0x1d8: {  	v0 =	vmul.f32 $8.000000000e+00, v0;
	_ =	sdelay $0x1  }
0x1d9: {  	v0 =	vadd.f32 v1, v0;
	_ =	sdelay $0x1  }
0x1da: {  	[tilespmem:s1+$0x1A900] =	vst v0  }
0x1db: {  	v0 =	vld [tilespmem:s0+$0xFFFFFFE0];
	_ =	sdelay $0x1  }
0x1dc: {  	v1 =	vld [tilespmem:s1+$0x1C210];
	_ =	sdelay $0x2  }
0x1dd: {  	v0 =	vmul.f32 $8.000000000e+00, v0;
	_ =	sdelay $0x1  }
0x1de: {  	v0 =	vadd.f32 v1, v0;
	_ =	sdelay $0x1  }
0x1df: {  	[tilespmem:s1+$0x1A910] =	vst v0  }
0x1e0: {  	v0 =	vld [tilespmem:s0+$0xFFFFFFF0];
	_ =	sdelay $0x1  }
0x1e1: {  	v1 =	vld [tilespmem:s1+$0x1C220];
	_ =	sdelay $0x2  }
0x1e2: {  	v0 =	vmul.f32 $8.000000000e+00, v0;
	_ =	sdelay $0x1  }
0x1e3: {  	v0 =	vadd.f32 v1, v0;
	_ =	sdelay $0x1  }
0x1e4: {  	[tilespmem:s1+$0x1A920] =	vst v0  }
0x1e5: {  	v0 =	vld [tilespmem:s0+$0x0];
	_ =	sdelay $0x1  }
0x1e6: {  	v1 =	vld [tilespmem:s1+$0x1C230];
	_ =	sdelay $0x2  }
0x1e7: {  	v0 =	vmul.f32 $8.000000000e+00, v0;
	_ =	sdelay $0x1  }
0x1e8: {  	v0 =	vadd.f32 v1, v0;
	_ =	sdelay $0x1  }
0x1e9: {  	s0 =	simm.s32 $0x14530;
	[tilespmem:s1+$0x1A930] =	vst v0  }
0x1ea: {  	s1 =	simm.s32 $0x100;
	v0 =	vld [tilespmem:s0+$0xFFFFFFD0]  }
.LBB2_21:
0x1eb: {  	p0 =	sne.s32 s1, $0x3100;
	s10 =	sshra.s32 s30, $0x2;
	s30 =	smov.u32 s1  }
0x1ec: {  	v1 =	vld [tilespmem:s10+$0x1C200];
	_ =	sdelay $0x2  }
0x1ed: {  	v0 =	vmul.f32 $8.000000000e+00, v0;
	_ =	sdelay $0x1  }
0x1ee: {  	v0 =	vadd.f32 v1, v0;
	_ =	sdelay $0x1  }
0x1ef: {  	[tilespmem:s10+$0x1B580] =	vst v0  }
0x1f0: {  	v0 =	vld [tilespmem:s0+$0xFFFFFFE0];
	_ =	sdelay $0x1  }
0x1f1: {  	v1 =	vld [tilespmem:s10+$0x1C210];
	_ =	sdelay $0x2  }
0x1f2: {  	v0 =	vmul.f32 $8.000000000e+00, v0;
	_ =	sdelay $0x1  }
0x1f3: {  	v0 =	vadd.f32 v1, v0;
	_ =	sdelay $0x1  }
0x1f4: {  	[tilespmem:s10+$0x1B590] =	vst v0  }
0x1f5: {  	v0 =	vld [tilespmem:s0+$0xFFFFFFF0];
	_ =	sdelay $0x1  }
0x1f6: {  	v1 =	vld [tilespmem:s10+$0x1C220];
	_ =	sdelay $0x2  }
0x1f7: {  	v0 =	vmul.f32 $8.000000000e+00, v0;
	_ =	sdelay $0x1  }
0x1f8: {  	v0 =	vadd.f32 v1, v0;
	_ =	sdelay $0x1  }
0x1f9: {  	[tilespmem:s10+$0x1B5A0] =	vst v0  }
0x1fa: {  	v0 =	vld [tilespmem:s0+$0x0];
	_ =	sdelay $0x1  }
0x1fb: {  	v1 =	vld [tilespmem:s10+$0x1C230];
	_ =	sdelay $0x2  }
0x1fc: {  	v0 =	vmul.f32 $8.000000000e+00, v0  }
.Ltmp9:
0x1fd: {  	(pc) =	sbr.rel @p0 .LBB2_21-.Ltmp9, $3  }
0x1fe: {  	v0 =	vadd.f32 v1, v0;
	_ =	sdelay $0x1  }
0x1ff: {  	s0 =	sadd.s32 $0x80, s0;
	[tilespmem:s10+$0x1B5B0] =	vst v0  }
0x200: {  	s1 =	sadd.s32 $0x100, s1;
	v0 =	vld [tilespmem:s0+$0xFFFFFFD0]  }
0x201: {  	s1 =	sshra.s32 s30, $0x2  }
0x202: {  	v1 =	vld [tilespmem:s1+$0x1C200];
	_ =	sdelay $0x2  }
0x203: {  	v0 =	vmul.f32 $8.000000000e+00, v0;
	_ =	sdelay $0x1  }
0x204: {  	v0 =	vadd.f32 v1, v0;
	_ =	sdelay $0x1  }
0x205: {  	[tilespmem:s1+$0x1B580] =	vst v0  }
0x206: {  	v0 =	vld [tilespmem:s0+$0xFFFFFFE0];
	_ =	sdelay $0x1  }
0x207: {  	v61 =	vld [tilespmem:s1+$0x1C210];
	_ =	sdelay $0x2  }
0x208: {  	v0 =	vmul.f32 $8.000000000e+00, v0;
	_ =	sdelay $0x1  }
0x209: {  	v0 =	vadd.f32 v61, v0;
	_ =	sdelay $0x1  }
0x20a: {  	[tilespmem:s1+$0x1B590] =	vst v0  }
0x20b: {  	v0 =	vld [tilespmem:s0+$0xFFFFFFF0];
	_ =	sdelay $0x1  }
0x20c: {  	v62 =	vld [tilespmem:s1+$0x1C220];
	_ =	sdelay $0x2  }
0x20d: {  	v0 =	vmul.f32 $8.000000000e+00, v0;
	_ =	sdelay $0x1  }
0x20e: {  	v0 =	vadd.f32 v62, v0;
	_ =	sdelay $0x1  }
0x20f: {  	[tilespmem:s1+$0x1B5A0] =	vst v0  }
0x210: {  	v0 =	vld [tilespmem:s0+$0x0];
	_ =	sdelay $0x1  }
0x211: {  	v63 =	vld [tilespmem:s1+$0x1C230];
	_ =	sdelay $0x1  }
0x212: {  	s28 =	sadd.s32 $0x1, s28  }
0x213: {  	p0 =	sne.s32 s28, $0x40;
	v0 =	vmul.f32 $8.000000000e+00, v0  }
.Ltmp10:
0x214: {  	s31 =	sadd.s32 s8, s29;
	(pc) =	sbr.rel @p0 .LBB2_6-.Ltmp10, $3  }
0x215: {  	s0 =	smul.u32 $0x640, s31;
	v0 =	vadd.f32 v63, v0;
	_ =	sdelay $0x1  }
0x216: {  	s0 =	sadd.s32 s2, s0;
	[tilespmem:s1+$0x1B5B0] =	vst v0  }
0x217: {  	[hbm4b:s0+s3] =	stream.linear.scatter [tilespmem:s23], [sflag:$0x4], $0x3200, $0x38;
	[tilespmem:$0x1CE80] =	vst v63  }
0x218: {  	s26 =	sadd.s32 $0x1, s26  }
0x219: {  	_ =	swait.ge [sflag:s24], $0x3200;
	p0 =	sne.s32 s26, s9  }
.Ltmp11:
0x21a: {  	[sflag:s24] =	ssyncset.done $0x0;
	(pc) =	sbr.rel @p0 .LBB2_1-.Ltmp11, $4  }
0x21b: {  	[sflag:s24] =	ssyncadd.s32 $0xFFFFCE00  }
0x21c: {  	_ =	swait.ge [sflag:s25], $0x3200  }
0x21d: {  	[sflag:s25] =	ssyncset.done $0x0  }
0x21e: {  	[sflag:s25] =	ssyncadd.s32 $0xFFFFCE00  }
0x21f: {  	_ =	sfence.sel $0x180000  }
0x220: {  	[bflag:$0x0] =	sbarrier.arrive $0xFFFF  }
0x221: {  	_ =	strace $0x90000047  }
0x222: {  	s0 =	stileid.u32;
	[bflag:$0x2] =	sbarrier.arrive $0xFFFF  }
0x223: {  	p0 =	sne.s32 s0, $0x0;
	s0 =	rddreg [dreg:$0x2]  }
0x224: {  	s0 =	sadd.s32 @!p0 $0x100000, s0  }
0x225: {  	[sflag:s0] =	ssyncadd.tile.s32 @!p0 $0x1;
	_ =	shalt  }
.Lfunc_end2:
_tile_overlayer_lowered:
.L_overlay_start_2:
0x226: {  	(tag) =	ssettag $0x2  }
0x227: {  	s0 =	rddreg [dreg:$0x0];
	s2 =	stileid.u32  }
0x228: {  	s1 =	rddreg [dreg:$0x1];
	p0 =	sne.s32 s2, $0x0  }
0x229: {  	s3 =	rddreg [dreg:$0x2];
	[bflag:$0x3] =	sbarrier.arrive $0xFFFF;
	s2 =	simm.s32 @!p0 $0x1C05  }
0x22a: {  	[timem:s3], [sflag:s2] =	dma.local @!p0 [hbm:s0], s1  }
0x22b: {  	s0 =	simm.s32 @!p0 $0x5  }
0x22c: {  	_ =	swait.ge @!p0 [sflag:s0], s1  }
0x22d: {  	s1 =	ssub.s32 @!p0 $0x0, s1;
	[sflag:s0] =	ssyncset.done @!p0 $0x0  }
0x22e: {  	[sflag:s0] =	ssyncadd.s32 @!p0 s1  }
0x22f: {  	[bflag:$0x3] =	sbarrier.arrive $0xFFFF  }
0x230: {  	_ =	shalt  }

// kernel: sparse-core-data-format-call.cloned.1.call-start
scs
called_computation_lowered:
.L_overlay_start_0:
0x0: {  	s2 =	sld [smem:$0x3FD9]  }
0x1: {  	s3 =	sld [smem:$0x3FFE];
	_ =	sdelay $0x1  }
0x2: {  	s1 =	srdreg.scid  }
0x3: {  	s0 =	sand.u32 $0x1, s1  }
0x4: {  	s18 =	sshll.u32 s0, $0xA;
	s2 =	sadd.s32 s3, s2  }
0x5: {  	s2 =	sadd.s32 s2, s18  }
0x6: {  	[smem:$0x3FC6] =	sst s2  }
0x7: {  	_ = 	snop  }
0x8: {  	s2 =	sld [smem:$0x3FD0];
	(tm) =	ssettm $0x1  }
0x9: {  	s19 =	sld [smem:$0x3FFB];
	_ =	sdelay $0x3  }
0xa: {  	_ =	strace s19  }
0xb: {  	s3 =	sld [smem:$0x3FFC];
	_ =	sdelay $0x3  }
0xc: {  	_ =	strace s3  }
0xd: {  	s3 =	sld [smem:$0x3FFD];
	_ =	sdelay $0x3  }
0xe: {  	_ =	strace s3  }
0xf: {  	_ =	strace $0x8FFFFFFF  }
0x10: {  	s20 =	sld [smem:$0x3FDB];
	_ =	sdelay $0x1  }
0x11: {  	s4 =	simm.s32 $_scs_section_size  }
0x12: {  	s5 =	simm.s32 $_size__tile_overlayer_lowered;
	s6 =	simm.s32 $_tile_overlayer_lowered  }
0x13: {  	s23 =	simm.s32 $0x1BFF;
	s22 =	sshll.u32 s6, $0x1;
	s3 =	sadd.s32 s4, s20  }
0x14: {  	s7 =	simm.s32 $0x0;
	s21 =	sshll.u32 s5, $0x1;
	s5 =	sadd.s32 s22, s3  }
0x15: {  	[timem:s7], [sflag:s23] =	dma.local [hbm:s5], s21  }
0x16: {  	_ =	swait.ge [sflag:s23], s21  }
0x17: {  	s4 =	ssub.s32 $0x0, s21;
	[sflag:s23] =	ssyncset.done $0x0  }
0x18: {  	[sflag:s23] =	ssyncadd.s32 s4;
	_ =	sdelay $0x1  }
0x19: {  	s24 =	simm.s32 $0x1B8B  }
0x1a: {  	_ =	swait.ge [sflag:s24], $0x1  }
0x1b: {  	[sflag:s24] =	ssyncset.done $0x0  }
0x1c: {  	s26 =	simm.s32 $0x1B8E;
	s25 =	sld [smem:$0x3FFE];
	[sflag:s24] =	ssyncadd.s32 $0xFFFFFFFF  }
0x1d: {  	s27 =	simm.s32 $execute0_lowered;
	[smem:$0x3FD2] =	sst s26  }
0x1e: {  	s5 =	sshll.u32 s27, $0x1;
	_ =	strace $0x80000049;
	[dreg:$0x1] =	wrdreg $0xFFFFFFFF  }
0x1f: {  	s28 =	simm.s32 $_size_execute0_lowered;
	s3 =	sadd.s32 s3, s5;
	[dreg:$0x0] =	wrdreg $0x0  }
0x20: {  	s5 =	sshll.u32 s28, $0x1;
	[dreg:$0x2] =	wrdreg s3  }
0x21: {  	[dreg:$0x3] =	wrdreg s5  }
0x22: {  	[dreg:$0x4] =	wrdreg $0xC0  }
0x23: {  	_ =	task [dreg:s7], $0x5FFFF  }
0x24: {  	[dreg:$0x1] =	wrdreg $0xFFFFFFFF  }
0x25: {  	[dreg:$0x0] =	wrdreg $0x60  }
0x26: {  	[dreg:$0x2] =	wrdreg s25  }
0x27: {  	[dreg:$0x3] =	wrdreg s2  }
0x28: {  	[dreg:$0x4] =	wrdreg $0x9  }
0x29: {  	_ =	task.clear_ibuf [dreg:s7], $0x5FFFF;
	_ =	strace $0x90000049  }
0x2a: {  	s29 =	simm.s32 $0x9;
	_ =	strace $0x8000004B  }
0x2b: {  	_ =	swait.ge [sflag:s29], $0x1  }
0x2c: {  	[sflag:s29] =	ssyncadd.s32 $0xFFFFFFFF  }
0x2d: {  	_ =	strace $0x9000004B  }
0x2e: {  	_ =	sfence  }
0x2f: {  	s30 =	sld [smem:$0x0];
	_ =	sdelay $0x2  }
0x30: {  	s31 =	sshll.u32 s1, $0xD;
	s1 =	sshrl.u32 s1, $0x2  }
0x31: {  	s3 =	sand.u32 $0x4000, s31;
	s1 =	sadd.s32 s1, s30  }
0x32: {  	s0 =	sor.u32 s3, s0;
	s1 =	sshll.u32 s1, $0x11  }
0x33: {  	s0 =	sor.u32 s1, s0  }
0x34: {  	s0 =	sadd.s32 $0x8F2B, s0  }
0x35: {  	[sflag:s0] =	ssyncadd.remote.s32 $0x1  }
0x36: {  	_ =	sfence.sel $0xFFFF  }
0x37: {  	[dreg:$0x0] =	wrdreg $0xFFFFFFFF;
	(pc) =	sbr.abs _section_cstart, $3  }
0x38: {  	[dreg:$0x1] =	wrdreg $0xFFFFFFFF  }
0x39: {  	_ =	task.clear_ibuf [dreg:s7], $0x2FFFF;
	_ =	strace $0x9FFFFFFF  }
0x3a: {  	(tm) =	ssettm $0x7FFFFFFF  }
0x3b: {  	_ =	shalt  }
tec
execute0_lowered:
.L_overlay_start_1:
0x0: {  	(tag) =	ssettag $0x1  }
0x1: {  	s0 =	srdreg.scid  }
0x2: {  	s1 =	sshll.u32 s0, $0x4  }
0x3: {  	s0 =	stileid.u32;
	s1 =	sand.u32 $0x10, s1  }
0x4: {  	s1 =	sor.u32 s0, s1  }
0x5: {  	s6 =	rddreg [dreg:$0x0];
	s4 =	simm.s32 $0x1;
	s2 =	sshll.u32 s1, $0x7  }
0x6: {  	s7 =	simm.s32 $0x2;
	s12 =	simm.s32 $0x0;
	s1 =	ssub.s32 $0x4000, s2  }
0x7: {  	s8 =	simm.s32 $0x20000;
	s13 =	simm.s32 $0x0;
	s3 =	sand.u32 $0xF80, s1  }
0x8: {  	s9 =	simm.s32 $0x0;
	s5 =	sshrl.u32 s1, $0xC;
	p0 =	sne.s32 s3, $0x0  }
.Ltmp0:
0x9: {  	s1 =	rddreg [dreg:$0x2];
	s4 =	simm.s32 @!p0 $0x0;
	(pc) =	sbr.rel .LBB1_1-.Ltmp0, $4  }
0xa: {  	s11 =	simm.s32 $0x0;
	s3 =	rddreg [dreg:$0x1];
	s5 =	sadd.s32 s4, s5  }
0xb: {  	_ =	strace $0x8000004A;
	s4 =	simm.s32 $0x1;
	s5 =	smul.u32 $0x32, s5  }
0xc: {  	s6 =	sadd.s32 $0xC00, s6;
	s10 =	smov.u32 s2;
	[sflag:s4] =	ssyncpa.u1 $0x0  }
0xd: {  	p0 =	por $0x0, $0x0;
	[sflag:s7] =	ssyncpa.u1 $0x0;
	s7 =	sor.u32 $0x1, s5  }
.LBB1_4:
0xe: {  	s16 =	sshll.u32 s13, $0x3;
	s17 =	sand.u32 $0x78, s13  }
0xf: {  	s30 =	sand.u32 $0x1F800, s13;
	s12 =	sshll.u32 s12, $0x11;
	s16 =	sand.u32 $0x3C00, s16  }
0x10: {  	[tilespmem:s15+$0x810 ss:$0x81] =	vst.msk $0xffff, v2;
	s31 =	sand.u32 $0x7, s13;
	s16 =	sor.u32 s17, s16;
	s17 =	sadd.s32 s3, s30  }
0x11: {  	[tilespmem:s15+$0x1020 ss:$0x81] =	vst.msk $0xffff, v0;
	s13 =	sshll.u32 s31, $0x12;
	s12 =	sadd.s32 s12, s17;
	s16 =	sshrl.u32 s16, $0x3  }
0x12: {  	[tilespmem:s15+$0x0 ss:$0x81] =	vst.msk $0xffff, v1;
	s13 =	sor.u32 $0x400, s13;
	s12 =	sadd.s32 s16, s12  }
0x13: {  	[hbm4b:s12+s13] =	stream.strided.scatter [tilespmem:s14], [sflag:$0x2], $0x2000, s8, s13, $0x20;
	[tilespmem:$0x8080] =	vst v63  }
.LBB1_5:
0x14: {  	s14 =	sadd.s32 $0x1, s9  }
0x15: {  	s12 =	sadd.s32 $0x1000, s10;
	s16 =	smov.u32 s10;
	p2 =	sgt.s32 s14, $0x31  }
0x16: {  	s16 =	smov.u32 @p2 s12  }
0x17: {  	s14 =	simm.s32 @p2 $0x0;
	p2 =	sgt.s32 s16, $0x3FFF  }
0x18: {  	s16 =	smov.u32 @p2 s2;
	p2 =	sne.s32 s11, s7  }
.Ltmp1:
0x19: {  	p1 =	slt.u32 s11, $0x2;
	(pc) =	sbr.rel @!p2 .LBB1_6-.Ltmp1, $4  }
0x1a: {  	s15 =	simm.s32 @!p1 $0x2  }
0x1b: {  	s13 =	smov.u32 s10;
	p0 =	por !p0, !p0;
	_ =	swait.ge @!p1 [sflag:s15], $0x2000  }
0x1c: {  	s12 =	smov.u32 s9;
	[sflag:s15] =	ssyncset.done @!p1 $0x0;
	s9 =	smov.u32 s14  }
0x1d: {  	s11 =	sadd.s32 $0x1, s11;
	[sflag:s15] =	ssyncadd.s32 @!p1 $0xFFFFE000;
	s10 =	smov.u32 s16  }
.LBB1_1:
0x1e: {  	p1 =	sge.u32 s11, s5  }
0x1f: {  	s14 =	sand.u32 @!p1 $0x1FFFFFF, s9  }
0x20: {  	s15 =	smulhi.u32 @!p1 $0x4924925, s14;
	_ =	sdelay $0x1  }
0x21: {  	s15 =	smul.u32 @!p1 $0x38, s15  }
0x22: {  	s16 =	sxor.u32 @!p1 $0xFFFFFFFF, s11;
	s17 =	smul.u32 @!p1 $0x380, s10  }
0x23: {  	s31 =	sadd.s32 $0xFFFFFFFF, s11;
	s16 =	sshll.u32 @!p1 s16, $0xD;
	s14 =	ssub.s32 @!p1 s14, s15  }
0x24: {  	s15 =	sand.u32 @!p1 $0x2000, s16;
	s16 =	sadd.s32 @!p1 s6, s17;
	s14 =	sshll.u32 @!p1 s14, $0x4  }
0x25: {  	s17 =	simm.s32 @!p1 $0x1C00;
	s14 =	sadd.s32 @!p1 s14, s16;
	s16 =	simm.s32 @!p1 $0x40  }
0x26: {  	[tilespmem:s15], [sflag:$0x1] =	stream.strided.gather @!p1 [hbm4b:s14+s16], $0x2000, s17, s16, $0x38;
	[tilespmem:$0x8080] =	vst v63  }
0x27: {  	p1 =	sge.u32 s31, s5  }
.Ltmp2:
0x28: {  	_ = 	snop;
	(pc) =	sbr.rel @p1 .LBB1_5-.Ltmp2, $1  }
0x29: {  	_ =	sdelay $0x3  }
0x2a: {  	s14 =	simm.s32 $0x1  }
0x2b: {  	_ =	swait.ge [sflag:s4], $0x2000;
	s14 =	simm.s32 @!p0 $0x0  }
0x2c: {  	[sflag:s4] =	ssyncset.done $0x0;
	s15 =	sshll.u32 s14, $0xD  }
0x2d: {  	[sflag:s4] =	ssyncadd.s32 $0xFFFFE000;
	s18 =	sor.u32 $0x20, s15  }
0x2e: {  	s14 =	smul.u32 $0x8100, s14;
	v3 =	vld [tilespmem:s18+$0x10]  }
0x2f: {  	s30 =	sand.u32 $0x1, s11;
	v2 =	vld [tilespmem:s18+$0xFFFFFFF0]  }
0x30: {  	s15 =	smul.u32 $0x8100, s30;
	s14 =	sshrl.u32 s14, $0x2;
	v0 =	vld [tilespmem:s18+$0x0]  }
0x31: {  	v1 =	vld [tilespmem:s18+$0xFFFFFFE0];
	s16 =	sor.u32 $0x4000, s14  }
0x32: {  	s31 =	sshrl.u32 s15, $0x2;
	s15 =	sadd.s32 $0x0, s16  }
0x33: {  	s17 =	simm.s32 $0x4;
	s18 =	sadd.s32 $0x40, s18;
	s14 =	sor.u32 $0x4000, s31;
	[tilespmem:s15+$0x1830 ss:$0x81] =	vst.msk $0xffff, v3  }
.LBB1_3:
0x34: {  	v3 =	vld [tilespmem:s18+$0x10];
	p1 =	sne.s32 s17, $0x1FC;
	[tilespmem:s15+$0x810 ss:$0x81] =	vst.msk $0xffff, v2;
	s19 =	smov.u32 s17;
	s17 =	sadd.s32 $0x4, s17  }
.Ltmp3:
0x35: {  	v2 =	vld [tilespmem:s18+$0xFFFFFFF0];
	[tilespmem:s15+$0x1020 ss:$0x81] =	vst.msk $0xffff, v0;
	(pc) =	sbr.rel @p1 .LBB1_3-.Ltmp3, $4  }
0x36: {  	v0 =	vld [tilespmem:s18+$0x0];
	[tilespmem:s15+$0x0 ss:$0x81] =	vst.msk $0xffff, v1  }
0x37: {  	s15 =	sshra.s32 s19, $0x2;
	v1 =	vld [tilespmem:s18+$0xFFFFFFE0]  }
0x38: {  	s15 =	sadd.s32 s15, s16  }
0x39: {  	s18 =	sadd.s32 $0x40, s18;
	[tilespmem:s15+$0x1830 ss:$0x81] =	vst.msk $0xffff, v3  }
.Ltmp4:
0x3a: {  	_ = 	snop;
	(pc) =	sbr.rel .LBB1_4-.Ltmp4, $1  }
0x3b: {  	_ =	sdelay $0x3  }
.LBB1_6:
0x3c: {  	_ =	sfence.sel $0x180000  }
0x3d: {  	s2 =	simm.s32 $0x1;
	[bflag:$0x0] =	sbarrier.arrive $0xFFFF  }
0x3e: {  	s31 =	simm.s32 $0x2;
	[sflag:s2] =	ssyncpa.u1 $0x1  }
0x3f: {  	[sflag:s31] =	ssyncpa.u1 $0x1  }
0x40: {  	p0 =	sne.s32 s0, $0x0;
	_ =	strace $0x9000004A  }
0x41: {  	s0 =	sadd.s32 @!p0 $0x100000, s1;
	[bflag:$0x2] =	sbarrier.arrive $0xFFFF  }
0x42: {  	[sflag:s0] =	ssyncadd.tile.s32 @!p0 $0x1;
	_ =	shalt  }
.Lfunc_end1:
_tile_overlayer_lowered:
.L_overlay_start_2:
0x43: {  	(tag) =	ssettag $0x2  }
0x44: {  	s0 =	rddreg [dreg:$0x0];
	s2 =	stileid.u32  }
0x45: {  	s1 =	rddreg [dreg:$0x1];
	p0 =	sne.s32 s2, $0x0  }
0x46: {  	s3 =	rddreg [dreg:$0x2];
	[bflag:$0x3] =	sbarrier.arrive $0xFFFF;
	s2 =	simm.s32 @!p0 $0x1C01  }
0x47: {  	[timem:s3], [sflag:s2] =	dma.local @!p0 [hbm:s0], s1  }
0x48: {  	s0 =	simm.s32 @!p0 $0x1  }
0x49: {  	_ =	swait.ge @!p0 [sflag:s0], s1  }
0x4a: {  	s1 =	ssub.s32 @!p0 $0x0, s1;
	[sflag:s0] =	ssyncset.done @!p0 $0x0  }
0x4b: {  	[sflag:s0] =	ssyncadd.s32 @!p0 s1  }
0x4c: {  	[bflag:$0x3] =	sbarrier.arrive $0xFFFF  }
0x4d: {  	_ =	shalt  }

</sc_bundles>
